<compile_context>
chip_gen: v7x
topology: tpu7x:2x2x1
jax: 0.10.2.dev20260603
libtpu: 0.0.44.dev20260713+nightly
codegen_flags: <defaults>
</compile_context>

<pallas_src>
import functools

import jax
import jax.numpy as jnp
import numpy as np
from jax import lax
from jax.experimental import pallas as pl
from jax.experimental.pallas import tpu as pltpu
from jax.experimental.pallas import tpu_sc as plsc

_N_WORKERS = 32
_CHUNK = 128
_LANES = 16
_PACK = 8
_BLK = 65536
_ROWS = _BLK // _PACK


def _sel_const(d, parity):
    e = np.zeros((_PACK * d, _PACK * (d // 2)), np.float32)
    for c in range(_PACK):
        for k in range(d // 2):
            e[c * d + 2 * k + parity, (d // 2) * c + k] = 1.0
    return jnp.asarray(e, dtype=jnp.bfloat16)


def _pack_body(x_ref, ee_ref, eo_ref, o_ref):
    x = x_ref[...].astype(jnp.bfloat16)
    xs = jnp.concatenate(
        [x[:, c * _ROWS:(c + 1) * _ROWS] for c in range(_PACK)], axis=0)
    acc_e = lax.dot_general(xs, ee_ref[...], (((0,), (0,)), ((), ())),
                            preferred_element_type=jnp.float32)
    acc_o = lax.dot_general(xs, eo_ref[...], (((0,), (0,)), ((), ())),
                            preferred_element_type=jnp.float32)
    o_ref[...] = pltpu.pack_elementwise(
        [acc_e, acc_o], packed_dtype=jnp.bfloat16)


def _pack_table(table_t):
    d, n = table_t.shape
    grid = (n + _BLK - 1) // _BLK
    sel_shape = (_PACK * d, _PACK * (d // 2))
    return pl.pallas_call(
        _pack_body,
        grid=(grid,),
        in_specs=[
            pl.BlockSpec((d, _BLK), lambda g: (0, g)),
            pl.BlockSpec(sel_shape, lambda g: (0, 0)),
            pl.BlockSpec(sel_shape, lambda g: (0, 0)),
        ],
        out_specs=pl.BlockSpec((_ROWS, _PACK * (d // 2)), lambda g: (g, 0)),
        out_shape=jax.ShapeDtypeStruct(
            (grid * _ROWS, _PACK * (d // 2)), jnp.int32),
        compiler_params=pltpu.CompilerParams(
            dimension_semantics=("arbitrary",)),
    )(table_t, _sel_const(d, 0), _sel_const(d, 1))


@functools.partial(jax.jit, static_argnums=(5, 6))
def _mf_call(idx_flat, uf_p, if_p, user_biases, item_biases, b_per_w, d2):
    batch = idx_flat.shape[0] // 2
    n_chunks = b_per_w // _CHUNK
    n_groups_half = (b_per_w // 2) // _LANES
    mesh = plsc.VectorSubcoreMesh(core_axis_name="c", subcore_axis_name="s")

    @functools.partial(
        pl.kernel,
        out_type=jax.ShapeDtypeStruct((batch,), jnp.float32),
        mesh=mesh,
        compiler_params=pltpu.CompilerParams(
            needs_layout_passes=False, use_tc_tiling_on_sc=True),
        scratch_types=[
            pltpu.VMEM((b_per_w,), jnp.int32),
            pltpu.VMEM((b_per_w,), jnp.int32),
            pltpu.VMEM((b_per_w,), jnp.int32),
            pltpu.VMEM((b_per_w,), jnp.int32),
            pltpu.VMEM((b_per_w // 2, _PACK * d2), jnp.int32),
            pltpu.VMEM((b_per_w // 2, _PACK * d2), jnp.int32),
            pltpu.VMEM((b_per_w,), jnp.float32),
            pltpu.VMEM((b_per_w,), jnp.float32),
            pltpu.VMEM((b_per_w,), jnp.float32),
            pltpu.SemaphoreType.DMA,
            pltpu.SemaphoreType.DMA,
        ],
    )
    def k(idx_hbm, uf_hbm, if_hbm, ub_hbm, ib_hbm, out_hbm,
          u1d, i1d, u2d, i2d, urows_v, irows_v, ub_v, ib_v, out_v,
          sem_b, sem_f):
        wid = lax.axis_index("s") * 2 + lax.axis_index("c")
        base = wid * b_per_w
        pltpu.sync_copy(idx_hbm.at[pl.ds(2 * base, b_per_w)], u1d)
        pltpu.sync_copy(idx_hbm.at[pl.ds(2 * base + b_per_w, b_per_w)], i1d)

        blk_s = _BLK.bit_length() - 1
        row_s = _ROWS.bit_length() - 1

        def packed_row(u):
            return (lax.shift_left(lax.shift_right_logical(u, blk_s), row_s)
                    | (u & (_ROWS - 1)))

        def halve_body(l, _):
            sl = pl.ds(l * _LANES, _LANES)
            u2d[sl] = packed_row(u1d[sl])
            i2d[sl] = packed_row(i1d[sl])
            return 0

        lax.fori_loop(0, b_per_w // _LANES, halve_body, 0)

        bias_copies = []
        for j in range(n_chunks):
            sl = pl.ds(j * _CHUNK, _CHUNK)
            bias_copies.append(pltpu.async_copy(
                ub_hbm.at[u1d.at[sl]], ub_v.at[sl], sem_b))
            bias_copies.append(pltpu.async_copy(
                ib_hbm.at[i1d.at[sl]], ib_v.at[sl], sem_b))

        for h in range(2):
            row_copies = []
            for jj in range(n_chunks // 2):
                j = h * (n_chunks // 2) + jj
                src = pl.ds(j * _CHUNK, _CHUNK)
                dst = pl.ds(jj * _CHUNK, _CHUNK)
                row_copies.append(pltpu.async_copy(
                    uf_hbm.at[u2d.at[src]], urows_v.at[dst], sem_f))
                row_copies.append(pltpu.async_copy(
                    if_hbm.at[i2d.at[src]], irows_v.at[dst], sem_f))
            for c in row_copies:
                c.wait()
            if h == 0:
                for c in bias_copies:
                    c.wait()

            def group_body(g, _):
                p0 = h * (b_per_w // 2) + g * _LANES
                sl = pl.ds(p0, _LANES)
                rows = lax.iota(jnp.int32, _LANES) + g * _LANES
                ucol = (lax.shift_right_logical(u1d[sl], row_s)
                        & (_PACK - 1)) * d2
                icol = (lax.shift_right_logical(i1d[sl], row_s)
                        & (_PACK - 1)) * d2
                acc = ub_v[sl] + ib_v[sl]
                for dp in range(d2):
                    iu = plsc.load_gather(urows_v, [rows, ucol + dp])
                    iv = plsc.load_gather(irows_v, [rows, icol + dp])
                    ue, uo = plsc.unpack(
                        plsc.bitcast(iu, jnp.bfloat16),
                        format=plsc.PackFormat.INTERLEAVED)
                    ve, vo = plsc.unpack(
                        plsc.bitcast(iv, jnp.bfloat16),
                        format=plsc.PackFormat.INTERLEAVED)
                    acc = acc + ue * ve + uo * vo
                out_v[sl] = acc
                return 0

            lax.fori_loop(0, n_groups_half, group_body, 0)

        pltpu.sync_copy(out_v, out_hbm.at[pl.ds(base, b_per_w)])

    return k(idx_flat, uf_p, if_p, user_biases, item_biases)


def kernel(user_item_tuple, user_factors, item_factors, user_biases, item_biases):
    batch = user_item_tuple.shape[0]
    d = user_factors.shape[1]
    b_per_w = batch // _N_WORKERS
    idx_flat = jnp.concatenate(
        [user_item_tuple[:, 0].reshape(_N_WORKERS, b_per_w),
         user_item_tuple[:, 1].reshape(_N_WORKERS, b_per_w)],
        axis=1).reshape(-1)
    uf_p = _pack_table(user_factors.T)
    if_p = _pack_table(item_factors.T)
    return _mf_call(idx_flat, uf_p, if_p,
                    user_biases.reshape(-1), item_biases.reshape(-1),
                    b_per_w, d // 2)

# --- scband reference (transcript-rebuilt; emitter-appended) ---
"""Pipeline reference for scband-biased-matrix-factorization-13176959664553 (READ-ONLY COPY).

The authoritative reference and input builder live on the scoring server;
editing this copy changes nothing except your own understanding.
"""

import jax, jax.numpy as jnp
import numpy as np

N_USERS = 1000000
N_ITEMS = 1000000
N_FACTORS = 32
BATCH = 16384


def _lecun_normal(key, shape):
    fan_in = shape[-1] if len(shape) > 1 else shape[0]
    std = 1.0 / np.sqrt(fan_in)
    return jax.random.normal(key, shape, dtype=jnp.float32) * std


def setup_inputs(seed: int = 0) -> dict:
    key = jax.random.key(seed)
    k_idx, k_uf, k_if, k_ub, k_ib = jax.random.split(key, 5)
    user_item_tuple = jax.random.randint(k_idx, (BATCH, 2), 0, min(N_USERS, N_ITEMS))
    user_factors = _lecun_normal(k_uf, (N_USERS, N_FACTORS))
    item_factors = _lecun_normal(k_if, (N_ITEMS, N_FACTORS))
    user_biases = _lecun_normal(k_ub, (N_USERS, 1))
    item_biases = _lecun_normal(k_ib, (N_ITEMS, 1))
    return {
        "user_item_tuple": user_item_tuple,
        "user_factors": user_factors,
        "item_factors": item_factors,
        "user_biases": user_biases,
        "item_biases": item_biases,
    }


def reference(user_item_tuple, user_factors, item_factors, user_biases, item_biases):
    user = user_item_tuple[:, 0]
    item = user_item_tuple[:, 1]
    pred = jnp.take(user_biases, user, axis=0)[:, 0] + jnp.take(item_biases, item, axis=0)[:, 0]
    pred = pred + (jnp.take(user_factors, user, axis=0) * jnp.take(item_factors, item, axis=0)).sum(1)
    return pred

if __name__ == "__main__":
    import jax
    _d = setup_inputs()
    print(jax.jit(kernel)(*tuple(_d.values())))

</pallas_src>

<mosaic_0001>
#map = affine_map<(d0, d1) -> (0)>
#map1 = affine_map<(d0, d1) -> (0, 0)>
module attributes {stable_mosaic.version = 14 : i64} {
  func.func @k(%arg0: i32, %arg1: i32, %arg2: memref<32768xi32, #tpu.memory_space<hbm>>, %arg3: memref<131072x128xi32, #tpu.memory_space<hbm>>, %arg4: memref<131072x128xi32, #tpu.memory_space<hbm>>, %arg5: memref<1000000xf32, #tpu.memory_space<hbm>>, %arg6: memref<1000000xf32, #tpu.memory_space<hbm>>, %arg7: memref<16384xf32, #tpu.memory_space<hbm>>, %arg8: memref<512xi32, #tpu.memory_space<vmem>>, %arg9: memref<512xi32, #tpu.memory_space<vmem>>, %arg10: memref<512xi32, #tpu.memory_space<vmem>>, %arg11: memref<512xi32, #tpu.memory_space<vmem>>, %arg12: memref<256x128xi32, #tpu.memory_space<vmem>>, %arg13: memref<256x128xi32, #tpu.memory_space<vmem>>, %arg14: memref<512xf32, #tpu.memory_space<vmem>>, %arg15: memref<512xf32, #tpu.memory_space<vmem>>, %arg16: memref<512xf32, #tpu.memory_space<vmem>>, %arg17: memref<!tpu.dma_semaphore, #tpu.memory_space<semaphore_mem>>, %arg18: memref<!tpu.dma_semaphore, #tpu.memory_space<semaphore_mem>>) attributes {dimension_semantics = [#tpu.dimension_semantics<core_parallel>, #tpu.dimension_semantics<subcore_parallel>], iteration_bounds = array<i64: 2, 16>, scalar_prefetch = 0 : i64, scratch_operands = 11 : i64, tpu.core_type = #tpu.core_type<sc_vector_subcore>, window_params = [{transform_indices = #map}, {transform_indices = #map1}, {transform_indices = #map1}, {transform_indices = #map}, {transform_indices = #map}, {transform_indices = #map}]} {
    %mul3A = arith.constant 2 : i32
    %mul3A_0 = arith.muli %arg1, %mul3A : i32
    %add3A = arith.addi %mul3A_0, %arg0 : i32
    %mul3A_1 = arith.constant 512 : i32
    %mul3A_2 = arith.muli %add3A, %mul3A_1 : i32
    %mul3A_3 = arith.constant 2 : i32
    %mul3A_4 = arith.muli %mul3A_3, %mul3A_2 : i32
    "tpu.region"() ({
      %run_scoped3A = tpu.sem_alloc : memref<!tpu.dma_semaphore, #tpu.memory_space<semaphore_mem>>
      %dma_start3A_251 = tpu.memref_slice %arg2[%mul3A_4] : memref<32768xi32, #tpu.memory_space<hbm>> -> memref<512xi32, #tpu.memory_space<hbm>>
      %dma_start3A_252 = tpu.memref_slice %arg2[%mul3A_4] : memref<32768xi32, #tpu.memory_space<hbm>> -> memref<512xi32, #tpu.memory_space<hbm>>
      tpu.enqueue_dma source(%dma_start3A_252 : memref<512xi32, #tpu.memory_space<hbm>>) target(%arg8 : memref<512xi32, #tpu.memory_space<vmem>>) target_semaphore(%run_scoped3A : memref<!tpu.dma_semaphore, #tpu.memory_space<semaphore_mem>>)
      %dma_wait3A_253 = tpu.memref_slice %arg2[%mul3A_4] : memref<32768xi32, #tpu.memory_space<hbm>> -> memref<512xi32, #tpu.memory_space<hbm>>
      %dma_wait3A_254 = tpu.memref_slice %arg2[%mul3A_4] : memref<32768xi32, #tpu.memory_space<hbm>> -> memref<512xi32, #tpu.memory_space<hbm>>
      tpu.wait_dma2 semaphore(%run_scoped3A : memref<!tpu.dma_semaphore, #tpu.memory_space<semaphore_mem>>) src(%dma_wait3A_254 : memref<512xi32, #tpu.memory_space<hbm>>) dst(%arg8 : memref<512xi32, #tpu.memory_space<vmem>>)
      tpu.yield
    }) : () -> ()
    %mul3A_5 = arith.constant 2 : i32
    %mul3A_6 = arith.muli %mul3A_5, %mul3A_2 : i32
    %add3A_7 = arith.constant 512 : i32
    %add3A_8 = arith.addi %mul3A_6, %add3A_7 : i32
    "tpu.region"() ({
      %run_scoped3A = tpu.sem_alloc : memref<!tpu.dma_semaphore, #tpu.memory_space<semaphore_mem>>
      %dma_start3A_251 = tpu.memref_slice %arg2[%add3A_8] : memref<32768xi32, #tpu.memory_space<hbm>> -> memref<512xi32, #tpu.memory_space<hbm>>
      %dma_start3A_252 = tpu.memref_slice %arg2[%add3A_8] : memref<32768xi32, #tpu.memory_space<hbm>> -> memref<512xi32, #tpu.memory_space<hbm>>
      tpu.enqueue_dma source(%dma_start3A_252 : memref<512xi32, #tpu.memory_space<hbm>>) target(%arg9 : memref<512xi32, #tpu.memory_space<vmem>>) target_semaphore(%run_scoped3A : memref<!tpu.dma_semaphore, #tpu.memory_space<semaphore_mem>>)
      %dma_wait3A_253 = tpu.memref_slice %arg2[%add3A_8] : memref<32768xi32, #tpu.memory_space<hbm>> -> memref<512xi32, #tpu.memory_space<hbm>>
      %dma_wait3A_254 = tpu.memref_slice %arg2[%add3A_8] : memref<32768xi32, #tpu.memory_space<hbm>> -> memref<512xi32, #tpu.memory_space<hbm>>
      tpu.wait_dma2 semaphore(%run_scoped3A : memref<!tpu.dma_semaphore, #tpu.memory_space<semaphore_mem>>) src(%dma_wait3A_254 : memref<512xi32, #tpu.memory_space<hbm>>) dst(%arg9 : memref<512xi32, #tpu.memory_space<vmem>>)
      tpu.yield
    }) : () -> ()
    %scan3A = arith.constant 0 : i32
    %scan3A_9 = arith.constant 0 : i32
    %scan3A_10 = arith.constant 32 : i32
    %scan3A_11 = arith.addi %scan3A_9, %scan3A_10 : i32
    %scan3A_12 = arith.constant 1 : i32
    %scan3A_13 = scf.for %scan3A_251 = %scan3A_9 to %scan3A_11 step %scan3A_12 iter_args(%scan3A_252 = %scan3A) -> (i32)  : i32 {
      %mul3A_253 = arith.constant 16 : i32
      %mul3A_254 = arith.muli %scan3A_251, %mul3A_253 : i32
      %get3A = arith.index_cast %mul3A_254 : i32 to index
      %get3A_255 = tpu.vector_load %arg8[%get3A] {strides = array<i32>} : memref<512xi32, #tpu.memory_space<vmem>>, vector<16xi32>,
      %shift_right_logical3A = arith.constant 16 : i32
      %shift_right_logical3A_256 = vector.broadcast %shift_right_logical3A : i32 to vector<16xi32>
      %shift_right_logical3A_257 = arith.shrui %get3A_255, %shift_right_logical3A_256 : vector<16xi32>
      %shift_left3A = arith.constant 13 : i32
      %shift_left3A_258 = vector.broadcast %shift_left3A : i32 to vector<16xi32>
      %shift_left3A_259 = arith.shli %shift_right_logical3A_257, %shift_left3A_258 : vector<16xi32>
      %and3A = arith.constant 8191 : i32
      %and3A_260 = vector.broadcast %and3A : i32 to vector<16xi32>
      %and3A_261 = arith.andi %get3A_255, %and3A_260 : vector<16xi32>
      %or3A = arith.ori %shift_left3A_259, %and3A_261 : vector<16xi32>
      %swap3A = arith.index_cast %mul3A_254 : i32 to index
      %swap3A_262 = tpu.vector_load %arg10[%swap3A] {strides = array<i32>} : memref<512xi32, #tpu.memory_space<vmem>>, vector<16xi32>,
      tpu.vector_store %arg10[%swap3A], %or3A {strides = array<i32>} : memref<512xi32, #tpu.memory_space<vmem>>, vector<16xi32>,
      %get3A_263 = arith.index_cast %mul3A_254 : i32 to index
      %get3A_264 = tpu.vector_load %arg9[%get3A_263] {strides = array<i32>} : memref<512xi32, #tpu.memory_space<vmem>>, vector<16xi32>,
      %shift_right_logical3A_265 = arith.constant 16 : i32
      %shift_right_logical3A_266 = vector.broadcast %shift_right_logical3A_265 : i32 to vector<16xi32>
      %shift_right_logical3A_267 = arith.shrui %get3A_264, %shift_right_logical3A_266 : vector<16xi32>
      %shift_left3A_268 = arith.constant 13 : i32
      %shift_left3A_269 = vector.broadcast %shift_left3A_268 : i32 to vector<16xi32>
      %shift_left3A_270 = arith.shli %shift_right_logical3A_267, %shift_left3A_269 : vector<16xi32>
      %and3A_271 = arith.constant 8191 : i32
      %and3A_272 = vector.broadcast %and3A_271 : i32 to vector<16xi32>
      %and3A_273 = arith.andi %get3A_264, %and3A_272 : vector<16xi32>
      %or3A_274 = arith.ori %shift_left3A_270, %and3A_273 : vector<16xi32>
      %swap3A_275 = arith.index_cast %mul3A_254 : i32 to index
      %swap3A_276 = tpu.vector_load %arg11[%swap3A_275] {strides = array<i32>} : memref<512xi32, #tpu.memory_space<vmem>>, vector<16xi32>,
      tpu.vector_store %arg11[%swap3A_275], %or3A_274 {strides = array<i32>} : memref<512xi32, #tpu.memory_space<vmem>>, vector<16xi32>,
      %scan3A_277 = arith.constant 0 : i32
      scf.yield %scan3A_277 : i32
    }
    %scan3A_14 = arith.constant 32 : i32
    %dma_start3A = arith.constant 0 : i32
    %dma_start3A_15 = tpu.memref_slice %arg14[%dma_start3A] : memref<512xf32, #tpu.memory_space<vmem>> -> memref<128xf32, #tpu.memory_space<vmem>>
    %dma_start3A_16 = arith.constant 0 : i32
    %dma_start3A_17 = tpu.memref_slice %arg8[%dma_start3A_16] : memref<512xi32, #tpu.memory_space<vmem>> -> memref<128xi32, #tpu.memory_space<vmem>>
    %dma_start3A_18 = arith.constant 0 : i32
    %dma_start3A_19 = tpu.memref_slice %arg5[%dma_start3A_18] : memref<1000000xf32, #tpu.memory_space<hbm>> -> memref<1000000xf32, #tpu.memory_space<hbm>>
    tpu.enqueue_indirect_dma source(%dma_start3A_19 : memref<1000000xf32, #tpu.memory_space<hbm>>) target(%dma_start3A_15 : memref<128xf32, #tpu.memory_space<vmem>>) offsets(%dma_start3A_17 : memref<128xi32, #tpu.memory_space<vmem>>) semaphore(%arg17 : memref<!tpu.dma_semaphore, #tpu.memory_space<semaphore_mem>>)
    %dma_start3A_20 = arith.constant 0 : i32
    %dma_start3A_21 = tpu.memref_slice %arg15[%dma_start3A_20] : memref<512xf32, #tpu.memory_space<vmem>> -> memref<128xf32, #tpu.memory_space<vmem>>
    %dma_start3A_22 = arith.constant 0 : i32
    %dma_start3A_23 = tpu.memref_slice %arg9[%dma_start3A_22] : memref<512xi32, #tpu.memory_space<vmem>> -> memref<128xi32, #tpu.memory_space<vmem>>
    %dma_start3A_24 = arith.constant 0 : i32
    %dma_start3A_25 = tpu.memref_slice %arg6[%dma_start3A_24] : memref<1000000xf32, #tpu.memory_space<hbm>> -> memref<1000000xf32, #tpu.memory_space<hbm>>
    tpu.enqueue_indirect_dma source(%dma_start3A_25 : memref<1000000xf32, #tpu.memory_space<hbm>>) target(%dma_start3A_21 : memref<128xf32, #tpu.memory_space<vmem>>) offsets(%dma_start3A_23 : memref<128xi32, #tpu.memory_space<vmem>>) semaphore(%arg17 : memref<!tpu.dma_semaphore, #tpu.memory_space<semaphore_mem>>)
    %dma_start3A_26 = arith.constant 128 : i32
    %dma_start3A_27 = tpu.memref_slice %arg14[%dma_start3A_26] : memref<512xf32, #tpu.memory_space<vmem>> -> memref<128xf32, #tpu.memory_space<vmem>>
    %dma_start3A_28 = arith.constant 128 : i32
    %dma_start3A_29 = tpu.memref_slice %arg8[%dma_start3A_28] : memref<512xi32, #tpu.memory_space<vmem>> -> memref<128xi32, #tpu.memory_space<vmem>>
    %dma_start3A_30 = arith.constant 0 : i32
    %dma_start3A_31 = tpu.memref_slice %arg5[%dma_start3A_30] : memref<1000000xf32, #tpu.memory_space<hbm>> -> memref<1000000xf32, #tpu.memory_space<hbm>>
    tpu.enqueue_indirect_dma source(%dma_start3A_31 : memref<1000000xf32, #tpu.memory_space<hbm>>) target(%dma_start3A_27 : memref<128xf32, #tpu.memory_space<vmem>>) offsets(%dma_start3A_29 : memref<128xi32, #tpu.memory_space<vmem>>) semaphore(%arg17 : memref<!tpu.dma_semaphore, #tpu.memory_space<semaphore_mem>>)
    %dma_start3A_32 = arith.constant 128 : i32
    %dma_start3A_33 = tpu.memref_slice %arg15[%dma_start3A_32] : memref<512xf32, #tpu.memory_space<vmem>> -> memref<128xf32, #tpu.memory_space<vmem>>
    %dma_start3A_34 = arith.constant 128 : i32
    %dma_start3A_35 = tpu.memref_slice %arg9[%dma_start3A_34] : memref<512xi32, #tpu.memory_space<vmem>> -> memref<128xi32, #tpu.memory_space<vmem>>
    %dma_start3A_36 = arith.constant 0 : i32
    %dma_start3A_37 = tpu.memref_slice %arg6[%dma_start3A_36] : memref<1000000xf32, #tpu.memory_space<hbm>> -> memref<1000000xf32, #tpu.memory_space<hbm>>
    tpu.enqueue_indirect_dma source(%dma_start3A_37 : memref<1000000xf32, #tpu.memory_space<hbm>>) target(%dma_start3A_33 : memref<128xf32, #tpu.memory_space<vmem>>) offsets(%dma_start3A_35 : memref<128xi32, #tpu.memory_space<vmem>>) semaphore(%arg17 : memref<!tpu.dma_semaphore, #tpu.memory_space<semaphore_mem>>)
    %dma_start3A_38 = arith.constant 256 : i32
    %dma_start3A_39 = tpu.memref_slice %arg14[%dma_start3A_38] : memref<512xf32, #tpu.memory_space<vmem>> -> memref<128xf32, #tpu.memory_space<vmem>>
    %dma_start3A_40 = arith.constant 256 : i32
    %dma_start3A_41 = tpu.memref_slice %arg8[%dma_start3A_40] : memref<512xi32, #tpu.memory_space<vmem>> -> memref<128xi32, #tpu.memory_space<vmem>>
    %dma_start3A_42 = arith.constant 0 : i32
    %dma_start3A_43 = tpu.memref_slice %arg5[%dma_start3A_42] : memref<1000000xf32, #tpu.memory_space<hbm>> -> memref<1000000xf32, #tpu.memory_space<hbm>>
    tpu.enqueue_indirect_dma source(%dma_start3A_43 : memref<1000000xf32, #tpu.memory_space<hbm>>) target(%dma_start3A_39 : memref<128xf32, #tpu.memory_space<vmem>>) offsets(%dma_start3A_41 : memref<128xi32, #tpu.memory_space<vmem>>) semaphore(%arg17 : memref<!tpu.dma_semaphore, #tpu.memory_space<semaphore_mem>>)
    %dma_start3A_44 = arith.constant 256 : i32
    %dma_start3A_45 = tpu.memref_slice %arg15[%dma_start3A_44] : memref<512xf32, #tpu.memory_space<vmem>> -> memref<128xf32, #tpu.memory_space<vmem>>
    %dma_start3A_46 = arith.constant 256 : i32
    %dma_start3A_47 = tpu.memref_slice %arg9[%dma_start3A_46] : memref<512xi32, #tpu.memory_space<vmem>> -> memref<128xi32, #tpu.memory_space<vmem>>
    %dma_start3A_48 = arith.constant 0 : i32
    %dma_start3A_49 = tpu.memref_slice %arg6[%dma_start3A_48] : memref<1000000xf32, #tpu.memory_space<hbm>> -> memref<1000000xf32, #tpu.memory_space<hbm>>
    tpu.enqueue_indirect_dma source(%dma_start3A_49 : memref<1000000xf32, #tpu.memory_space<hbm>>) target(%dma_start3A_45 : memref<128xf32, #tpu.memory_space<vmem>>) offsets(%dma_start3A_47 : memref<128xi32, #tpu.memory_space<vmem>>) semaphore(%arg17 : memref<!tpu.dma_semaphore, #tpu.memory_space<semaphore_mem>>)
    %dma_start3A_50 = arith.constant 384 : i32
    %dma_start3A_51 = tpu.memref_slice %arg14[%dma_start3A_50] : memref<512xf32, #tpu.memory_space<vmem>> -> memref<128xf32, #tpu.memory_space<vmem>>
    %dma_start3A_52 = arith.constant 384 : i32
    %dma_start3A_53 = tpu.memref_slice %arg8[%dma_start3A_52] : memref<512xi32, #tpu.memory_space<vmem>> -> memref<128xi32, #tpu.memory_space<vmem>>
    %dma_start3A_54 = arith.constant 0 : i32
    %dma_start3A_55 = tpu.memref_slice %arg5[%dma_start3A_54] : memref<1000000xf32, #tpu.memory_space<hbm>> -> memref<1000000xf32, #tpu.memory_space<hbm>>
    tpu.enqueue_indirect_dma source(%dma_start3A_55 : memref<1000000xf32, #tpu.memory_space<hbm>>) target(%dma_start3A_51 : memref<128xf32, #tpu.memory_space<vmem>>) offsets(%dma_start3A_53 : memref<128xi32, #tpu.memory_space<vmem>>) semaphore(%arg17 : memref<!tpu.dma_semaphore, #tpu.memory_space<semaphore_mem>>)
    %dma_start3A_56 = arith.constant 384 : i32
    %dma_start3A_57 = tpu.memref_slice %arg15[%dma_start3A_56] : memref<512xf32, #tpu.memory_space<vmem>> -> memref<128xf32, #tpu.memory_space<vmem>>
    %dma_start3A_58 = arith.constant 384 : i32
    %dma_start3A_59 = tpu.memref_slice %arg9[%dma_start3A_58] : memref<512xi32, #tpu.memory_space<vmem>> -> memref<128xi32, #tpu.memory_space<vmem>>
    %dma_start3A_60 = arith.constant 0 : i32
    %dma_start3A_61 = tpu.memref_slice %arg6[%dma_start3A_60] : memref<1000000xf32, #tpu.memory_space<hbm>> -> memref<1000000xf32, #tpu.memory_space<hbm>>
    tpu.enqueue_indirect_dma source(%dma_start3A_61 : memref<1000000xf32, #tpu.memory_space<hbm>>) target(%dma_start3A_57 : memref<128xf32, #tpu.memory_space<vmem>>) offsets(%dma_start3A_59 : memref<128xi32, #tpu.memory_space<vmem>>) semaphore(%arg17 : memref<!tpu.dma_semaphore, #tpu.memory_space<semaphore_mem>>)
    %dma_start3A_62 = arith.constant 0 : i32
    %dma_start3A_63 = arith.constant 0 : i32
    %dma_start3A_64 = tpu.memref_slice %arg12[%dma_start3A_62, %dma_start3A_63] : memref<256x128xi32, #tpu.memory_space<vmem>> -> memref<128x128xi32, #tpu.memory_space<vmem>>
    %dma_start3A_65 = arith.constant 0 : i32
    %dma_start3A_66 = tpu.memref_slice %arg10[%dma_start3A_65] : memref<512xi32, #tpu.memory_space<vmem>> -> memref<128xi32, #tpu.memory_space<vmem>>
    %dma_start3A_67 = arith.constant 0 : i32
    %dma_start3A_68 = arith.constant 0 : i32
    %dma_start3A_69 = tpu.memref_slice %arg3[%dma_start3A_67, %dma_start3A_68] : memref<131072x128xi32, #tpu.memory_space<hbm>> -> memref<131072x128xi32, #tpu.memory_space<hbm>>
    tpu.enqueue_indirect_dma source(%dma_start3A_69 : memref<131072x128xi32, #tpu.memory_space<hbm>>) target(%dma_start3A_64 : memref<128x128xi32, #tpu.memory_space<vmem>>) offsets(%dma_start3A_66 : memref<128xi32, #tpu.memory_space<vmem>>) semaphore(%arg18 : memref<!tpu.dma_semaphore, #tpu.memory_space<semaphore_mem>>)
    %dma_start3A_70 = arith.constant 0 : i32
    %dma_start3A_71 = arith.constant 0 : i32
    %dma_start3A_72 = tpu.memref_slice %arg13[%dma_start3A_70, %dma_start3A_71] : memref<256x128xi32, #tpu.memory_space<vmem>> -> memref<128x128xi32, #tpu.memory_space<vmem>>
    %dma_start3A_73 = arith.constant 0 : i32
    %dma_start3A_74 = tpu.memref_slice %arg11[%dma_start3A_73] : memref<512xi32, #tpu.memory_space<vmem>> -> memref<128xi32, #tpu.memory_space<vmem>>
    %dma_start3A_75 = arith.constant 0 : i32
    %dma_start3A_76 = arith.constant 0 : i32
    %dma_start3A_77 = tpu.memref_slice %arg4[%dma_start3A_75, %dma_start3A_76] : memref<131072x128xi32, #tpu.memory_space<hbm>> -> memref<131072x128xi32, #tpu.memory_space<hbm>>
    tpu.enqueue_indirect_dma source(%dma_start3A_77 : memref<131072x128xi32, #tpu.memory_space<hbm>>) target(%dma_start3A_72 : memref<128x128xi32, #tpu.memory_space<vmem>>) offsets(%dma_start3A_74 : memref<128xi32, #tpu.memory_space<vmem>>) semaphore(%arg18 : memref<!tpu.dma_semaphore, #tpu.memory_space<semaphore_mem>>)
    %dma_start3A_78 = arith.constant 128 : i32
    %dma_start3A_79 = arith.constant 0 : i32
    %dma_start3A_80 = tpu.memref_slice %arg12[%dma_start3A_78, %dma_start3A_79] : memref<256x128xi32, #tpu.memory_space<vmem>> -> memref<128x128xi32, #tpu.memory_space<vmem>>
    %dma_start3A_81 = arith.constant 128 : i32
    %dma_start3A_82 = tpu.memref_slice %arg10[%dma_start3A_81] : memref<512xi32, #tpu.memory_space<vmem>> -> memref<128xi32, #tpu.memory_space<vmem>>
    %dma_start3A_83 = arith.constant 0 : i32
    %dma_start3A_84 = arith.constant 0 : i32
    %dma_start3A_85 = tpu.memref_slice %arg3[%dma_start3A_83, %dma_start3A_84] : memref<131072x128xi32, #tpu.memory_space<hbm>> -> memref<131072x128xi32, #tpu.memory_space<hbm>>
    tpu.enqueue_indirect_dma source(%dma_start3A_85 : memref<131072x128xi32, #tpu.memory_space<hbm>>) target(%dma_start3A_80 : memref<128x128xi32, #tpu.memory_space<vmem>>) offsets(%dma_start3A_82 : memref<128xi32, #tpu.memory_space<vmem>>) semaphore(%arg18 : memref<!tpu.dma_semaphore, #tpu.memory_space<semaphore_mem>>)
    %dma_start3A_86 = arith.constant 128 : i32
    %dma_start3A_87 = arith.constant 0 : i32
    %dma_start3A_88 = tpu.memref_slice %arg13[%dma_start3A_86, %dma_start3A_87] : memref<256x128xi32, #tpu.memory_space<vmem>> -> memref<128x128xi32, #tpu.memory_space<vmem>>
    %dma_start3A_89 = arith.constant 128 : i32
    %dma_start3A_90 = tpu.memref_slice %arg11[%dma_start3A_89] : memref<512xi32, #tpu.memory_space<vmem>> -> memref<128xi32, #tpu.memory_space<vmem>>
    %dma_start3A_91 = arith.constant 0 : i32
    %dma_start3A_92 = arith.constant 0 : i32
    %dma_start3A_93 = tpu.memref_slice %arg4[%dma_start3A_91, %dma_start3A_92] : memref<131072x128xi32, #tpu.memory_space<hbm>> -> memref<131072x128xi32, #tpu.memory_space<hbm>>
    tpu.enqueue_indirect_dma source(%dma_start3A_93 : memref<131072x128xi32, #tpu.memory_space<hbm>>) target(%dma_start3A_88 : memref<128x128xi32, #tpu.memory_space<vmem>>) offsets(%dma_start3A_90 : memref<128xi32, #tpu.memory_space<vmem>>) semaphore(%arg18 : memref<!tpu.dma_semaphore, #tpu.memory_space<semaphore_mem>>)
    %dma_wait3A = arith.constant 0 : i32
    %dma_wait3A_94 = arith.constant 0 : i32
    %dma_wait3A_95 = tpu.memref_slice %arg12[%dma_wait3A, %dma_wait3A_94] : memref<256x128xi32, #tpu.memory_space<vmem>> -> memref<128x128xi32, #tpu.memory_space<vmem>>
    %dma_wait3A_96 = arith.constant 0 : i32
    %dma_wait3A_97 = tpu.memref_slice %arg10[%dma_wait3A_96] : memref<512xi32, #tpu.memory_space<vmem>> -> memref<128xi32, #tpu.memory_space<vmem>>
    %dma_wait3A_98 = arith.constant 0 : i32
    %dma_wait3A_99 = arith.constant 0 : i32
    %dma_wait3A_100 = tpu.memref_slice %arg3[%dma_wait3A_98, %dma_wait3A_99] : memref<131072x128xi32, #tpu.memory_space<hbm>> -> memref<131072x128xi32, #tpu.memory_space<hbm>>
    tpu.wait_indirect_dma semaphore(%arg18 : memref<!tpu.dma_semaphore, #tpu.memory_space<semaphore_mem>>) src(%dma_wait3A_100 : memref<131072x128xi32, #tpu.memory_space<hbm>>) dst(%dma_wait3A_95 : memref<128x128xi32, #tpu.memory_space<vmem>>)
    %dma_wait3A_101 = arith.constant 0 : i32
    %dma_wait3A_102 = arith.constant 0 : i32
    %dma_wait3A_103 = tpu.memref_slice %arg13[%dma_wait3A_101, %dma_wait3A_102] : memref<256x128xi32, #tpu.memory_space<vmem>> -> memref<128x128xi32, #tpu.memory_space<vmem>>
    %dma_wait3A_104 = arith.constant 0 : i32
    %dma_wait3A_105 = tpu.memref_slice %arg11[%dma_wait3A_104] : memref<512xi32, #tpu.memory_space<vmem>> -> memref<128xi32, #tpu.memory_space<vmem>>
    %dma_wait3A_106 = arith.constant 0 : i32
    %dma_wait3A_107 = arith.constant 0 : i32
    %dma_wait3A_108 = tpu.memref_slice %arg4[%dma_wait3A_106, %dma_wait3A_107] : memref<131072x128xi32, #tpu.memory_space<hbm>> -> memref<131072x128xi32, #tpu.memory_space<hbm>>
    tpu.wait_indirect_dma semaphore(%arg18 : memref<!tpu.dma_semaphore, #tpu.memory_space<semaphore_mem>>) src(%dma_wait3A_108 : memref<131072x128xi32, #tpu.memory_space<hbm>>) dst(%dma_wait3A_103 : memref<128x128xi32, #tpu.memory_space<vmem>>)
    %dma_wait3A_109 = arith.constant 128 : i32
    %dma_wait3A_110 = arith.constant 0 : i32
    %dma_wait3A_111 = tpu.memref_slice %arg12[%dma_wait3A_109, %dma_wait3A_110] : memref<256x128xi32, #tpu.memory_space<vmem>> -> memref<128x128xi32, #tpu.memory_space<vmem>>
    %dma_wait3A_112 = arith.constant 128 : i32
    %dma_wait3A_113 = tpu.memref_slice %arg10[%dma_wait3A_112] : memref<512xi32, #tpu.memory_space<vmem>> -> memref<128xi32, #tpu.memory_space<vmem>>
    %dma_wait3A_114 = arith.constant 0 : i32
    %dma_wait3A_115 = arith.constant 0 : i32
    %dma_wait3A_116 = tpu.memref_slice %arg3[%dma_wait3A_114, %dma_wait3A_115] : memref<131072x128xi32, #tpu.memory_space<hbm>> -> memref<131072x128xi32, #tpu.memory_space<hbm>>
    tpu.wait_indirect_dma semaphore(%arg18 : memref<!tpu.dma_semaphore, #tpu.memory_space<semaphore_mem>>) src(%dma_wait3A_116 : memref<131072x128xi32, #tpu.memory_space<hbm>>) dst(%dma_wait3A_111 : memref<128x128xi32, #tpu.memory_space<vmem>>)
    %dma_wait3A_117 = arith.constant 128 : i32
    %dma_wait3A_118 = arith.constant 0 : i32
    %dma_wait3A_119 = tpu.memref_slice %arg13[%dma_wait3A_117, %dma_wait3A_118] : memref<256x128xi32, #tpu.memory_space<vmem>> -> memref<128x128xi32, #tpu.memory_space<vmem>>
    %dma_wait3A_120 = arith.constant 128 : i32
    %dma_wait3A_121 = tpu.memref_slice %arg11[%dma_wait3A_120] : memref<512xi32, #tpu.memory_space<vmem>> -> memref<128xi32, #tpu.memory_space<vmem>>
    %dma_wait3A_122 = arith.constant 0 : i32
    %dma_wait3A_123 = arith.constant 0 : i32
    %dma_wait3A_124 = tpu.memref_slice %arg4[%dma_wait3A_122, %dma_wait3A_123] : memref<131072x128xi32, #tpu.memory_space<hbm>> -> memref<131072x128xi32, #tpu.memory_space<hbm>>
    tpu.wait_indirect_dma semaphore(%arg18 : memref<!tpu.dma_semaphore, #tpu.memory_space<semaphore_mem>>) src(%dma_wait3A_124 : memref<131072x128xi32, #tpu.memory_space<hbm>>) dst(%dma_wait3A_119 : memref<128x128xi32, #tpu.memory_space<vmem>>)
    %dma_wait3A_125 = arith.constant 0 : i32
    %dma_wait3A_126 = tpu.memref_slice %arg14[%dma_wait3A_125] : memref<512xf32, #tpu.memory_space<vmem>> -> memref<128xf32, #tpu.memory_space<vmem>>
    %dma_wait3A_127 = arith.constant 0 : i32
    %dma_wait3A_128 = tpu.memref_slice %arg8[%dma_wait3A_127] : memref<512xi32, #tpu.memory_space<vmem>> -> memref<128xi32, #tpu.memory_space<vmem>>
    %dma_wait3A_129 = arith.constant 0 : i32
    %dma_wait3A_130 = tpu.memref_slice %arg5[%dma_wait3A_129] : memref<1000000xf32, #tpu.memory_space<hbm>> -> memref<1000000xf32, #tpu.memory_space<hbm>>
    tpu.wait_indirect_dma semaphore(%arg17 : memref<!tpu.dma_semaphore, #tpu.memory_space<semaphore_mem>>) src(%dma_wait3A_130 : memref<1000000xf32, #tpu.memory_space<hbm>>) dst(%dma_wait3A_126 : memref<128xf32, #tpu.memory_space<vmem>>)
    %dma_wait3A_131 = arith.constant 0 : i32
    %dma_wait3A_132 = tpu.memref_slice %arg15[%dma_wait3A_131] : memref<512xf32, #tpu.memory_space<vmem>> -> memref<128xf32, #tpu.memory_space<vmem>>
    %dma_wait3A_133 = arith.constant 0 : i32
    %dma_wait3A_134 = tpu.memref_slice %arg9[%dma_wait3A_133] : memref<512xi32, #tpu.memory_space<vmem>> -> memref<128xi32, #tpu.memory_space<vmem>>
    %dma_wait3A_135 = arith.constant 0 : i32
    %dma_wait3A_136 = tpu.memref_slice %arg6[%dma_wait3A_135] : memref<1000000xf32, #tpu.memory_space<hbm>> -> memref<1000000xf32, #tpu.memory_space<hbm>>
    tpu.wait_indirect_dma semaphore(%arg17 : memref<!tpu.dma_semaphore, #tpu.memory_space<semaphore_mem>>) src(%dma_wait3A_136 : memref<1000000xf32, #tpu.memory_space<hbm>>) dst(%dma_wait3A_132 : memref<128xf32, #tpu.memory_space<vmem>>)
    %dma_wait3A_137 = arith.constant 128 : i32
    %dma_wait3A_138 = tpu.memref_slice %arg14[%dma_wait3A_137] : memref<512xf32, #tpu.memory_space<vmem>> -> memref<128xf32, #tpu.memory_space<vmem>>
    %dma_wait3A_139 = arith.constant 128 : i32
    %dma_wait3A_140 = tpu.memref_slice %arg8[%dma_wait3A_139] : memref<512xi32, #tpu.memory_space<vmem>> -> memref<128xi32, #tpu.memory_space<vmem>>
    %dma_wait3A_141 = arith.constant 0 : i32
    %dma_wait3A_142 = tpu.memref_slice %arg5[%dma_wait3A_141] : memref<1000000xf32, #tpu.memory_space<hbm>> -> memref<1000000xf32, #tpu.memory_space<hbm>>
    tpu.wait_indirect_dma semaphore(%arg17 : memref<!tpu.dma_semaphore, #tpu.memory_space<semaphore_mem>>) src(%dma_wait3A_142 : memref<1000000xf32, #tpu.memory_space<hbm>>) dst(%dma_wait3A_138 : memref<128xf32, #tpu.memory_space<vmem>>)
    %dma_wait3A_143 = arith.constant 128 : i32
    %dma_wait3A_144 = tpu.memref_slice %arg15[%dma_wait3A_143] : memref<512xf32, #tpu.memory_space<vmem>> -> memref<128xf32, #tpu.memory_space<vmem>>
    %dma_wait3A_145 = arith.constant 128 : i32
    %dma_wait3A_146 = tpu.memref_slice %arg9[%dma_wait3A_145] : memref<512xi32, #tpu.memory_space<vmem>> -> memref<128xi32, #tpu.memory_space<vmem>>
    %dma_wait3A_147 = arith.constant 0 : i32
    %dma_wait3A_148 = tpu.memref_slice %arg6[%dma_wait3A_147] : memref<1000000xf32, #tpu.memory_space<hbm>> -> memref<1000000xf32, #tpu.memory_space<hbm>>
    tpu.wait_indirect_dma semaphore(%arg17 : memref<!tpu.dma_semaphore, #tpu.memory_space<semaphore_mem>>) src(%dma_wait3A_148 : memref<1000000xf32, #tpu.memory_space<hbm>>) dst(%dma_wait3A_144 : memref<128xf32, #tpu.memory_space<vmem>>)
    %dma_wait3A_149 = arith.constant 256 : i32
    %dma_wait3A_150 = tpu.memref_slice %arg14[%dma_wait3A_149] : memref<512xf32, #tpu.memory_space<vmem>> -> memref<128xf32, #tpu.memory_space<vmem>>
    %dma_wait3A_151 = arith.constant 256 : i32
    %dma_wait3A_152 = tpu.memref_slice %arg8[%dma_wait3A_151] : memref<512xi32, #tpu.memory_space<vmem>> -> memref<128xi32, #tpu.memory_space<vmem>>
    %dma_wait3A_153 = arith.constant 0 : i32
    %dma_wait3A_154 = tpu.memref_slice %arg5[%dma_wait3A_153] : memref<1000000xf32, #tpu.memory_space<hbm>> -> memref<1000000xf32, #tpu.memory_space<hbm>>
    tpu.wait_indirect_dma semaphore(%arg17 : memref<!tpu.dma_semaphore, #tpu.memory_space<semaphore_mem>>) src(%dma_wait3A_154 : memref<1000000xf32, #tpu.memory_space<hbm>>) dst(%dma_wait3A_150 : memref<128xf32, #tpu.memory_space<vmem>>)
    %dma_wait3A_155 = arith.constant 256 : i32
    %dma_wait3A_156 = tpu.memref_slice %arg15[%dma_wait3A_155] : memref<512xf32, #tpu.memory_space<vmem>> -> memref<128xf32, #tpu.memory_space<vmem>>
    %dma_wait3A_157 = arith.constant 256 : i32
    %dma_wait3A_158 = tpu.memref_slice %arg9[%dma_wait3A_157] : memref<512xi32, #tpu.memory_space<vmem>> -> memref<128xi32, #tpu.memory_space<vmem>>
    %dma_wait3A_159 = arith.constant 0 : i32
    %dma_wait3A_160 = tpu.memref_slice %arg6[%dma_wait3A_159] : memref<1000000xf32, #tpu.memory_space<hbm>> -> memref<1000000xf32, #tpu.memory_space<hbm>>
    tpu.wait_indirect_dma semaphore(%arg17 : memref<!tpu.dma_semaphore, #tpu.memory_space<semaphore_mem>>) src(%dma_wait3A_160 : memref<1000000xf32, #tpu.memory_space<hbm>>) dst(%dma_wait3A_156 : memref<128xf32, #tpu.memory_space<vmem>>)
    %dma_wait3A_161 = arith.constant 384 : i32
    %dma_wait3A_162 = tpu.memref_slice %arg14[%dma_wait3A_161] : memref<512xf32, #tpu.memory_space<vmem>> -> memref<128xf32, #tpu.memory_space<vmem>>
    %dma_wait3A_163 = arith.constant 384 : i32
    %dma_wait3A_164 = tpu.memref_slice %arg8[%dma_wait3A_163] : memref<512xi32, #tpu.memory_space<vmem>> -> memref<128xi32, #tpu.memory_space<vmem>>
    %dma_wait3A_165 = arith.constant 0 : i32
    %dma_wait3A_166 = tpu.memref_slice %arg5[%dma_wait3A_165] : memref<1000000xf32, #tpu.memory_space<hbm>> -> memref<1000000xf32, #tpu.memory_space<hbm>>
    tpu.wait_indirect_dma semaphore(%arg17 : memref<!tpu.dma_semaphore, #tpu.memory_space<semaphore_mem>>) src(%dma_wait3A_166 : memref<1000000xf32, #tpu.memory_space<hbm>>) dst(%dma_wait3A_162 : memref<128xf32, #tpu.memory_space<vmem>>)
    %dma_wait3A_167 = arith.constant 384 : i32
    %dma_wait3A_168 = tpu.memref_slice %arg15[%dma_wait3A_167] : memref<512xf32, #tpu.memory_space<vmem>> -> memref<128xf32, #tpu.memory_space<vmem>>
    %dma_wait3A_169 = arith.constant 384 : i32
    %dma_wait3A_170 = tpu.memref_slice %arg9[%dma_wait3A_169] : memref<512xi32, #tpu.memory_space<vmem>> -> memref<128xi32, #tpu.memory_space<vmem>>
    %dma_wait3A_171 = arith.constant 0 : i32
    %dma_wait3A_172 = tpu.memref_slice %arg6[%dma_wait3A_171] : memref<1000000xf32, #tpu.memory_space<hbm>> -> memref<1000000xf32, #tpu.memory_space<hbm>>
    tpu.wait_indirect_dma semaphore(%arg17 : memref<!tpu.dma_semaphore, #tpu.memory_space<semaphore_mem>>) src(%dma_wait3A_172 : memref<1000000xf32, #tpu.memory_space<hbm>>) dst(%dma_wait3A_168 : memref<128xf32, #tpu.memory_space<vmem>>)
    %scan3A_173 = arith.constant 0 : i32
    %scan3A_174 = arith.constant 0 : i32
    %scan3A_175 = arith.constant 16 : i32
    %scan3A_176 = arith.addi %scan3A_174, %scan3A_175 : i32
    %scan3A_177 = arith.constant 1 : i32
    %scan3A_178 = scf.for %scan3A_251 = %scan3A_174 to %scan3A_176 step %scan3A_177 iter_args(%scan3A_252 = %scan3A_173) -> (i32)  : i32 {
      %mul3A_253 = arith.constant 16 : i32
      %mul3A_254 = arith.muli %scan3A_251, %mul3A_253 : i32
      %add3A_255 = arith.constant 0 : i32
      %add3A_256 = arith.addi %add3A_255, %mul3A_254 : i32
      %iota3A = tpu.iota {dimensions = array<i32: 0>} : vector<16xi32>
      %mul3A_257 = arith.constant 16 : i32
      %mul3A_258 = arith.muli %scan3A_251, %mul3A_257 : i32
      %add3A_259 = vector.broadcast %mul3A_258 : i32 to vector<16xi32>
      %add3A_260 = arith.addi %iota3A, %add3A_259 : vector<16xi32>
      %get3A = arith.index_cast %add3A_256 : i32 to index
      %get3A_261 = tpu.vector_load %arg8[%get3A] {strides = array<i32>} : memref<512xi32, #tpu.memory_space<vmem>>, vector<16xi32>,
      %shift_right_logical3A = arith.constant 13 : i32
      %shift_right_logical3A_262 = vector.broadcast %shift_right_logical3A : i32 to vector<16xi32>
      %shift_right_logical3A_263 = arith.shrui %get3A_261, %shift_right_logical3A_262 : vector<16xi32>
      %and3A = arith.constant 7 : i32
      %and3A_264 = vector.broadcast %and3A : i32 to vector<16xi32>
      %and3A_265 = arith.andi %shift_right_logical3A_263, %and3A_264 : vector<16xi32>
      %mul3A_266 = arith.constant 16 : i32
      %mul3A_267 = vector.broadcast %mul3A_266 : i32 to vector<16xi32>
      %mul3A_268 = arith.muli %and3A_265, %mul3A_267 : vector<16xi32>
      %get3A_269 = arith.index_cast %add3A_256 : i32 to index
      %get3A_270 = tpu.vector_load %arg9[%get3A_269] {strides = array<i32>} : memref<512xi32, #tpu.memory_space<vmem>>, vector<16xi32>,
      %shift_right_logical3A_271 = arith.constant 13 : i32
      %shift_right_logical3A_272 = vector.broadcast %shift_right_logical3A_271 : i32 to vector<16xi32>
      %shift_right_logical3A_273 = arith.shrui %get3A_270, %shift_right_logical3A_272 : vector<16xi32>
      %and3A_274 = arith.constant 7 : i32
      %and3A_275 = vector.broadcast %and3A_274 : i32 to vector<16xi32>
      %and3A_276 = arith.andi %shift_right_logical3A_273, %and3A_275 : vector<16xi32>
      %mul3A_277 = arith.constant 16 : i32
      %mul3A_278 = vector.broadcast %mul3A_277 : i32 to vector<16xi32>
      %mul3A_279 = arith.muli %and3A_276, %mul3A_278 : vector<16xi32>
      %get3A_280 = arith.index_cast %add3A_256 : i32 to index
      %get3A_281 = tpu.vector_load %arg14[%get3A_280] {strides = array<i32>} : memref<512xf32, #tpu.memory_space<vmem>>, vector<16xf32>,
      %get3A_282 = arith.index_cast %add3A_256 : i32 to index
      %get3A_283 = tpu.vector_load %arg15[%get3A_282] {strides = array<i32>} : memref<512xf32, #tpu.memory_space<vmem>>, vector<16xf32>,
      %add3A_284 = arith.addf %get3A_281, %get3A_283 : vector<16xf32>
      %add3A_285 = arith.constant 0 : i32
      %add3A_286 = vector.broadcast %add3A_285 : i32 to vector<16xi32>
      %add3A_287 = arith.addi %mul3A_268, %add3A_286 : vector<16xi32>
      %gather3A = tpu.vector_load_idx %arg12[%add3A_260, %add3A_287] : memref<256x128xi32, #tpu.memory_space<vmem>>[vector<16xi32>, vector<16xi32>], vector<16xi32>,
      %add3A_288 = arith.constant 0 : i32
      %add3A_289 = vector.broadcast %add3A_288 : i32 to vector<16xi32>
      %add3A_290 = arith.addi %mul3A_279, %add3A_289 : vector<16xi32>
      %gather3A_291 = tpu.vector_load_idx %arg13[%add3A_260, %add3A_290] : memref<256x128xi32, #tpu.memory_space<vmem>>[vector<16xi32>, vector<16xi32>], vector<16xi32>,
      %bitcast3A = vector.bitcast %gather3A : vector<16xi32> to vector<32xbf16>
      %unpack3A = tpu.unpack_subelements %bitcast3A, 0 {pack_format = #tpu.pack_format<interleaved>} : vector<32xbf16> -> vector<16xf32>
      %unpack3A_292 = tpu.unpack_subelements %bitcast3A, 1 {pack_format = #tpu.pack_format<interleaved>} : vector<32xbf16> -> vector<16xf32>
      %bitcast3A_293 = vector.bitcast %gather3A_291 : vector<16xi32> to vector<32xbf16>
      %unpack3A_294 = tpu.unpack_subelements %bitcast3A_293, 0 {pack_format = #tpu.pack_format<interleaved>} : vector<32xbf16> -> vector<16xf32>
      %unpack3A_295 = tpu.unpack_subelements %bitcast3A_293, 1 {pack_format = #tpu.pack_format<interleaved>} : vector<32xbf16> -> vector<16xf32>
      %mul3A_296 = arith.mulf %unpack3A, %unpack3A_294 : vector<16xf32>
      %add3A_297 = arith.addf %add3A_284, %mul3A_296 : vector<16xf32>
      %mul3A_298 = arith.mulf %unpack3A_292, %unpack3A_295 : vector<16xf32>
      %add3A_299 = arith.addf %add3A_297, %mul3A_298 : vector<16xf32>
      %add3A_300 = arith.constant 1 : i32
      %add3A_301 = vector.broadcast %add3A_300 : i32 to vector<16xi32>
      %add3A_302 = arith.addi %mul3A_268, %add3A_301 : vector<16xi32>
      %gather3A_303 = tpu.vector_load_idx %arg12[%add3A_260, %add3A_302] : memref<256x128xi32, #tpu.memory_space<vmem>>[vector<16xi32>, vector<16xi32>], vector<16xi32>,
      %add3A_304 = arith.constant 1 : i32
      %add3A_305 = vector.broadcast %add3A_304 : i32 to vector<16xi32>
      %add3A_306 = arith.addi %mul3A_279, %add3A_305 : vector<16xi32>
      %gather3A_307 = tpu.vector_load_idx %arg13[%add3A_260, %add3A_306] : memref<256x128xi32, #tpu.memory_space<vmem>>[vector<16xi32>, vector<16xi32>], vector<16xi32>,
      %bitcast3A_308 = vector.bitcast %gather3A_303 : vector<16xi32> to vector<32xbf16>
      %unpack3A_309 = tpu.unpack_subelements %bitcast3A_308, 0 {pack_format = #tpu.pack_format<interleaved>} : vector<32xbf16> -> vector<16xf32>
      %unpack3A_310 = tpu.unpack_subelements %bitcast3A_308, 1 {pack_format = #tpu.pack_format<interleaved>} : vector<32xbf16> -> vector<16xf32>
      %bitcast3A_311 = vector.bitcast %gather3A_307 : vector<16xi32> to vector<32xbf16>
      %unpack3A_312 = tpu.unpack_subelements %bitcast3A_311, 0 {pack_format = #tpu.pack_format<interleaved>} : vector<32xbf16> -> vector<16xf32>
      %unpack3A_313 = tpu.unpack_subelements %bitcast3A_311, 1 {pack_format = #tpu.pack_format<interleaved>} : vector<32xbf16> -> vector<16xf32>
      %mul3A_314 = arith.mulf %unpack3A_309, %unpack3A_312 : vector<16xf32>
      %add3A_315 = arith.addf %add3A_299, %mul3A_314 : vector<16xf32>
      %mul3A_316 = arith.mulf %unpack3A_310, %unpack3A_313 : vector<16xf32>
      %add3A_317 = arith.addf %add3A_315, %mul3A_316 : vector<16xf32>
      %add3A_318 = arith.constant 2 : i32
      %add3A_319 = vector.broadcast %add3A_318 : i32 to vector<16xi32>
      %add3A_320 = arith.addi %mul3A_268, %add3A_319 : vector<16xi32>
      %gather3A_321 = tpu.vector_load_idx %arg12[%add3A_260, %add3A_320] : memref<256x128xi32, #tpu.memory_space<vmem>>[vector<16xi32>, vector<16xi32>], vector<16xi32>,
      %add3A_322 = arith.constant 2 : i32
      %add3A_323 = vector.broadcast %add3A_322 : i32 to vector<16xi32>
      %add3A_324 = arith.addi %mul3A_279, %add3A_323 : vector<16xi32>
      %gather3A_325 = tpu.vector_load_idx %arg13[%add3A_260, %add3A_324] : memref<256x128xi32, #tpu.memory_space<vmem>>[vector<16xi32>, vector<16xi32>], vector<16xi32>,
      %bitcast3A_326 = vector.bitcast %gather3A_321 : vector<16xi32> to vector<32xbf16>
      %unpack3A_327 = tpu.unpack_subelements %bitcast3A_326, 0 {pack_format = #tpu.pack_format<interleaved>} : vector<32xbf16> -> vector<16xf32>
      %unpack3A_328 = tpu.unpack_subelements %bitcast3A_326, 1 {pack_format = #tpu.pack_format<interleaved>} : vector<32xbf16> -> vector<16xf32>
      %bitcast3A_329 = vector.bitcast %gather3A_325 : vector<16xi32> to vector<32xbf16>
      %unpack3A_330 = tpu.unpack_subelements %bitcast3A_329, 0 {pack_format = #tpu.pack_format<interleaved>} : vector<32xbf16> -> vector<16xf32>
      %unpack3A_331 = tpu.unpack_subelements %bitcast3A_329, 1 {pack_format = #tpu.pack_format<interleaved>} : vector<32xbf16> -> vector<16xf32>
      %mul3A_332 = arith.mulf %unpack3A_327, %unpack3A_330 : vector<16xf32>
      %add3A_333 = arith.addf %add3A_317, %mul3A_332 : vector<16xf32>
      %mul3A_334 = arith.mulf %unpack3A_328, %unpack3A_331 : vector<16xf32>
      %add3A_335 = arith.addf %add3A_333, %mul3A_334 : vector<16xf32>
      %add3A_336 = arith.constant 3 : i32
      %add3A_337 = vector.broadcast %add3A_336 : i32 to vector<16xi32>
      %add3A_338 = arith.addi %mul3A_268, %add3A_337 : vector<16xi32>
      %gather3A_339 = tpu.vector_load_idx %arg12[%add3A_260, %add3A_338] : memref<256x128xi32, #tpu.memory_space<vmem>>[vector<16xi32>, vector<16xi32>], vector<16xi32>,
      %add3A_340 = arith.constant 3 : i32
      %add3A_341 = vector.broadcast %add3A_340 : i32 to vector<16xi32>
      %add3A_342 = arith.addi %mul3A_279, %add3A_341 : vector<16xi32>
      %gather3A_343 = tpu.vector_load_idx %arg13[%add3A_260, %add3A_342] : memref<256x128xi32, #tpu.memory_space<vmem>>[vector<16xi32>, vector<16xi32>], vector<16xi32>,
      %bitcast3A_344 = vector.bitcast %gather3A_339 : vector<16xi32> to vector<32xbf16>
      %unpack3A_345 = tpu.unpack_subelements %bitcast3A_344, 0 {pack_format = #tpu.pack_format<interleaved>} : vector<32xbf16> -> vector<16xf32>
      %unpack3A_346 = tpu.unpack_subelements %bitcast3A_344, 1 {pack_format = #tpu.pack_format<interleaved>} : vector<32xbf16> -> vector<16xf32>
      %bitcast3A_347 = vector.bitcast %gather3A_343 : vector<16xi32> to vector<32xbf16>
      %unpack3A_348 = tpu.unpack_subelements %bitcast3A_347, 0 {pack_format = #tpu.pack_format<interleaved>} : vector<32xbf16> -> vector<16xf32>
      %unpack3A_349 = tpu.unpack_subelements %bitcast3A_347, 1 {pack_format = #tpu.pack_format<interleaved>} : vector<32xbf16> -> vector<16xf32>
      %mul3A_350 = arith.mulf %unpack3A_345, %unpack3A_348 : vector<16xf32>
      %add3A_351 = arith.addf %add3A_335, %mul3A_350 : vector<16xf32>
      %mul3A_352 = arith.mulf %unpack3A_346, %unpack3A_349 : vector<16xf32>
      %add3A_353 = arith.addf %add3A_351, %mul3A_352 : vector<16xf32>
      %add3A_354 = arith.constant 4 : i32
      %add3A_355 = vector.broadcast %add3A_354 : i32 to vector<16xi32>
      %add3A_356 = arith.addi %mul3A_268, %add3A_355 : vector<16xi32>
      %gather3A_357 = tpu.vector_load_idx %arg12[%add3A_260, %add3A_356] : memref<256x128xi32, #tpu.memory_space<vmem>>[vector<16xi32>, vector<16xi32>], vector<16xi32>,
      %add3A_358 = arith.constant 4 : i32
      %add3A_359 = vector.broadcast %add3A_358 : i32 to vector<16xi32>
      %add3A_360 = arith.addi %mul3A_279, %add3A_359 : vector<16xi32>
      %gather3A_361 = tpu.vector_load_idx %arg13[%add3A_260, %add3A_360] : memref<256x128xi32, #tpu.memory_space<vmem>>[vector<16xi32>, vector<16xi32>], vector<16xi32>,
      %bitcast3A_362 = vector.bitcast %gather3A_357 : vector<16xi32> to vector<32xbf16>
      %unpack3A_363 = tpu.unpack_subelements %bitcast3A_362, 0 {pack_format = #tpu.pack_format<interleaved>} : vector<32xbf16> -> vector<16xf32>
      %unpack3A_364 = tpu.unpack_subelements %bitcast3A_362, 1 {pack_format = #tpu.pack_format<interleaved>} : vector<32xbf16> -> vector<16xf32>
      %bitcast3A_365 = vector.bitcast %gather3A_361 : vector<16xi32> to vector<32xbf16>
      %unpack3A_366 = tpu.unpack_subelements %bitcast3A_365, 0 {pack_format = #tpu.pack_format<interleaved>} : vector<32xbf16> -> vector<16xf32>
      %unpack3A_367 = tpu.unpack_subelements %bitcast3A_365, 1 {pack_format = #tpu.pack_format<interleaved>} : vector<32xbf16> -> vector<16xf32>
      %mul3A_368 = arith.mulf %unpack3A_363, %unpack3A_366 : vector<16xf32>
      %add3A_369 = arith.addf %add3A_353, %mul3A_368 : vector<16xf32>
      %mul3A_370 = arith.mulf %unpack3A_364, %unpack3A_367 : vector<16xf32>
      %add3A_371 = arith.addf %add3A_369, %mul3A_370 : vector<16xf32>
      %add3A_372 = arith.constant 5 : i32
      %add3A_373 = vector.broadcast %add3A_372 : i32 to vector<16xi32>
      %add3A_374 = arith.addi %mul3A_268, %add3A_373 : vector<16xi32>
      %gather3A_375 = tpu.vector_load_idx %arg12[%add3A_260, %add3A_374] : memref<256x128xi32, #tpu.memory_space<vmem>>[vector<16xi32>, vector<16xi32>], vector<16xi32>,
      %add3A_376 = arith.constant 5 : i32
      %add3A_377 = vector.broadcast %add3A_376 : i32 to vector<16xi32>
      %add3A_378 = arith.addi %mul3A_279, %add3A_377 : vector<16xi32>
      %gather3A_379 = tpu.vector_load_idx %arg13[%add3A_260, %add3A_378] : memref<256x128xi32, #tpu.memory_space<vmem>>[vector<16xi32>, vector<16xi32>], vector<16xi32>,
      %bitcast3A_380 = vector.bitcast %gather3A_375 : vector<16xi32> to vector<32xbf16>
      %unpack3A_381 = tpu.unpack_subelements %bitcast3A_380, 0 {pack_format = #tpu.pack_format<interleaved>} : vector<32xbf16> -> vector<16xf32>
      %unpack3A_382 = tpu.unpack_subelements %bitcast3A_380, 1 {pack_format = #tpu.pack_format<interleaved>} : vector<32xbf16> -> vector<16xf32>
      %bitcast3A_383 = vector.bitcast %gather3A_379 : vector<16xi32> to vector<32xbf16>
      %unpack3A_384 = tpu.unpack_subelements %bitcast3A_383, 0 {pack_format = #tpu.pack_format<interleaved>} : vector<32xbf16> -> vector<16xf32>
      %unpack3A_385 = tpu.unpack_subelements %bitcast3A_383, 1 {pack_format = #tpu.pack_format<interleaved>} : vector<32xbf16> -> vector<16xf32>
      %mul3A_386 = arith.mulf %unpack3A_381, %unpack3A_384 : vector<16xf32>
      %add3A_387 = arith.addf %add3A_371, %mul3A_386 : vector<16xf32>
      %mul3A_388 = arith.mulf %unpack3A_382, %unpack3A_385 : vector<16xf32>
      %add3A_389 = arith.addf %add3A_387, %mul3A_388 : vector<16xf32>
      %add3A_390 = arith.constant 6 : i32
      %add3A_391 = vector.broadcast %add3A_390 : i32 to vector<16xi32>
      %add3A_392 = arith.addi %mul3A_268, %add3A_391 : vector<16xi32>
      %gather3A_393 = tpu.vector_load_idx %arg12[%add3A_260, %add3A_392] : memref<256x128xi32, #tpu.memory_space<vmem>>[vector<16xi32>, vector<16xi32>], vector<16xi32>,
      %add3A_394 = arith.constant 6 : i32
      %add3A_395 = vector.broadcast %add3A_394 : i32 to vector<16xi32>
      %add3A_396 = arith.addi %mul3A_279, %add3A_395 : vector<16xi32>
      %gather3A_397 = tpu.vector_load_idx %arg13[%add3A_260, %add3A_396] : memref<256x128xi32, #tpu.memory_space<vmem>>[vector<16xi32>, vector<16xi32>], vector<16xi32>,
      %bitcast3A_398 = vector.bitcast %gather3A_393 : vector<16xi32> to vector<32xbf16>
      %unpack3A_399 = tpu.unpack_subelements %bitcast3A_398, 0 {pack_format = #tpu.pack_format<interleaved>} : vector<32xbf16> -> vector<16xf32>
      %unpack3A_400 = tpu.unpack_subelements %bitcast3A_398, 1 {pack_format = #tpu.pack_format<interleaved>} : vector<32xbf16> -> vector<16xf32>
      %bitcast3A_401 = vector.bitcast %gather3A_397 : vector<16xi32> to vector<32xbf16>
      %unpack3A_402 = tpu.unpack_subelements %bitcast3A_401, 0 {pack_format = #tpu.pack_format<interleaved>} : vector<32xbf16> -> vector<16xf32>
      %unpack3A_403 = tpu.unpack_subelements %bitcast3A_401, 1 {pack_format = #tpu.pack_format<interleaved>} : vector<32xbf16> -> vector<16xf32>
      %mul3A_404 = arith.mulf %unpack3A_399, %unpack3A_402 : vector<16xf32>
      %add3A_405 = arith.addf %add3A_389, %mul3A_404 : vector<16xf32>
      %mul3A_406 = arith.mulf %unpack3A_400, %unpack3A_403 : vector<16xf32>
      %add3A_407 = arith.addf %add3A_405, %mul3A_406 : vector<16xf32>
      %add3A_408 = arith.constant 7 : i32
      %add3A_409 = vector.broadcast %add3A_408 : i32 to vector<16xi32>
      %add3A_410 = arith.addi %mul3A_268, %add3A_409 : vector<16xi32>
      %gather3A_411 = tpu.vector_load_idx %arg12[%add3A_260, %add3A_410] : memref<256x128xi32, #tpu.memory_space<vmem>>[vector<16xi32>, vector<16xi32>], vector<16xi32>,
      %add3A_412 = arith.constant 7 : i32
      %add3A_413 = vector.broadcast %add3A_412 : i32 to vector<16xi32>
      %add3A_414 = arith.addi %mul3A_279, %add3A_413 : vector<16xi32>
      %gather3A_415 = tpu.vector_load_idx %arg13[%add3A_260, %add3A_414] : memref<256x128xi32, #tpu.memory_space<vmem>>[vector<16xi32>, vector<16xi32>], vector<16xi32>,
      %bitcast3A_416 = vector.bitcast %gather3A_411 : vector<16xi32> to vector<32xbf16>
      %unpack3A_417 = tpu.unpack_subelements %bitcast3A_416, 0 {pack_format = #tpu.pack_format<interleaved>} : vector<32xbf16> -> vector<16xf32>
      %unpack3A_418 = tpu.unpack_subelements %bitcast3A_416, 1 {pack_format = #tpu.pack_format<interleaved>} : vector<32xbf16> -> vector<16xf32>
      %bitcast3A_419 = vector.bitcast %gather3A_415 : vector<16xi32> to vector<32xbf16>
      %unpack3A_420 = tpu.unpack_subelements %bitcast3A_419, 0 {pack_format = #tpu.pack_format<interleaved>} : vector<32xbf16> -> vector<16xf32>
      %unpack3A_421 = tpu.unpack_subelements %bitcast3A_419, 1 {pack_format = #tpu.pack_format<interleaved>} : vector<32xbf16> -> vector<16xf32>
      %mul3A_422 = arith.mulf %unpack3A_417, %unpack3A_420 : vector<16xf32>
      %add3A_423 = arith.addf %add3A_407, %mul3A_422 : vector<16xf32>
      %mul3A_424 = arith.mulf %unpack3A_418, %unpack3A_421 : vector<16xf32>
      %add3A_425 = arith.addf %add3A_423, %mul3A_424 : vector<16xf32>
      %add3A_426 = arith.constant 8 : i32
      %add3A_427 = vector.broadcast %add3A_426 : i32 to vector<16xi32>
      %add3A_428 = arith.addi %mul3A_268, %add3A_427 : vector<16xi32>
      %gather3A_429 = tpu.vector_load_idx %arg12[%add3A_260, %add3A_428] : memref<256x128xi32, #tpu.memory_space<vmem>>[vector<16xi32>, vector<16xi32>], vector<16xi32>,
      %add3A_430 = arith.constant 8 : i32
      %add3A_431 = vector.broadcast %add3A_430 : i32 to vector<16xi32>
      %add3A_432 = arith.addi %mul3A_279, %add3A_431 : vector<16xi32>
      %gather3A_433 = tpu.vector_load_idx %arg13[%add3A_260, %add3A_432] : memref<256x128xi32, #tpu.memory_space<vmem>>[vector<16xi32>, vector<16xi32>], vector<16xi32>,
      %bitcast3A_434 = vector.bitcast %gather3A_429 : vector<16xi32> to vector<32xbf16>
      %unpack3A_435 = tpu.unpack_subelements %bitcast3A_434, 0 {pack_format = #tpu.pack_format<interleaved>} : vector<32xbf16> -> vector<16xf32>
      %unpack3A_436 = tpu.unpack_subelements %bitcast3A_434, 1 {pack_format = #tpu.pack_format<interleaved>} : vector<32xbf16> -> vector<16xf32>
      %bitcast3A_437 = vector.bitcast %gather3A_433 : vector<16xi32> to vector<32xbf16>
      %unpack3A_438 = tpu.unpack_subelements %bitcast3A_437, 0 {pack_format = #tpu.pack_format<interleaved>} : vector<32xbf16> -> vector<16xf32>
      %unpack3A_439 = tpu.unpack_subelements %bitcast3A_437, 1 {pack_format = #tpu.pack_format<interleaved>} : vector<32xbf16> -> vector<16xf32>
      %mul3A_440 = arith.mulf %unpack3A_435, %unpack3A_438 : vector<16xf32>
      %add3A_441 = arith.addf %add3A_425, %mul3A_440 : vector<16xf32>
      %mul3A_442 = arith.mulf %unpack3A_436, %unpack3A_439 : vector<16xf32>
      %add3A_443 = arith.addf %add3A_441, %mul3A_442 : vector<16xf32>
      %add3A_444 = arith.constant 9 : i32
      %add3A_445 = vector.broadcast %add3A_444 : i32 to vector<16xi32>
      %add3A_446 = arith.addi %mul3A_268, %add3A_445 : vector<16xi32>
      %gather3A_447 = tpu.vector_load_idx %arg12[%add3A_260, %add3A_446] : memref<256x128xi32, #tpu.memory_space<vmem>>[vector<16xi32>, vector<16xi32>], vector<16xi32>,
      %add3A_448 = arith.constant 9 : i32
      %add3A_449 = vector.broadcast %add3A_448 : i32 to vector<16xi32>
      %add3A_450 = arith.addi %mul3A_279, %add3A_449 : vector<16xi32>
      %gather3A_451 = tpu.vector_load_idx %arg13[%add3A_260, %add3A_450] : memref<256x128xi32, #tpu.memory_space<vmem>>[vector<16xi32>, vector<16xi32>], vector<16xi32>,
      %bitcast3A_452 = vector.bitcast %gather3A_447 : vector<16xi32> to vector<32xbf16>
      %unpack3A_453 = tpu.unpack_subelements %bitcast3A_452, 0 {pack_format = #tpu.pack_format<interleaved>} : vector<32xbf16> -> vector<16xf32>
      %unpack3A_454 = tpu.unpack_subelements %bitcast3A_452, 1 {pack_format = #tpu.pack_format<interleaved>} : vector<32xbf16> -> vector<16xf32>
      %bitcast3A_455 = vector.bitcast %gather3A_451 : vector<16xi32> to vector<32xbf16>
      %unpack3A_456 = tpu.unpack_subelements %bitcast3A_455, 0 {pack_format = #tpu.pack_format<interleaved>} : vector<32xbf16> -> vector<16xf32>
      %unpack3A_457 = tpu.unpack_subelements %bitcast3A_455, 1 {pack_format = #tpu.pack_format<interleaved>} : vector<32xbf16> -> vector<16xf32>
      %mul3A_458 = arith.mulf %unpack3A_453, %unpack3A_456 : vector<16xf32>
      %add3A_459 = arith.addf %add3A_443, %mul3A_458 : vector<16xf32>
      %mul3A_460 = arith.mulf %unpack3A_454, %unpack3A_457 : vector<16xf32>
      %add3A_461 = arith.addf %add3A_459, %mul3A_460 : vector<16xf32>
      %add3A_462 = arith.constant 10 : i32
      %add3A_463 = vector.broadcast %add3A_462 : i32 to vector<16xi32>
      %add3A_464 = arith.addi %mul3A_268, %add3A_463 : vector<16xi32>
      %gather3A_465 = tpu.vector_load_idx %arg12[%add3A_260, %add3A_464] : memref<256x128xi32, #tpu.memory_space<vmem>>[vector<16xi32>, vector<16xi32>], vector<16xi32>,
      %add3A_466 = arith.constant 10 : i32
      %add3A_467 = vector.broadcast %add3A_466 : i32 to vector<16xi32>
      %add3A_468 = arith.addi %mul3A_279, %add3A_467 : vector<16xi32>
      %gather3A_469 = tpu.vector_load_idx %arg13[%add3A_260, %add3A_468] : memref<256x128xi32, #tpu.memory_space<vmem>>[vector<16xi32>, vector<16xi32>], vector<16xi32>,
      %bitcast3A_470 = vector.bitcast %gather3A_465 : vector<16xi32> to vector<32xbf16>
      %unpack3A_471 = tpu.unpack_subelements %bitcast3A_470, 0 {pack_format = #tpu.pack_format<interleaved>} : vector<32xbf16> -> vector<16xf32>
      %unpack3A_472 = tpu.unpack_subelements %bitcast3A_470, 1 {pack_format = #tpu.pack_format<interleaved>} : vector<32xbf16> -> vector<16xf32>
      %bitcast3A_473 = vector.bitcast %gather3A_469 : vector<16xi32> to vector<32xbf16>
      %unpack3A_474 = tpu.unpack_subelements %bitcast3A_473, 0 {pack_format = #tpu.pack_format<interleaved>} : vector<32xbf16> -> vector<16xf32>
      %unpack3A_475 = tpu.unpack_subelements %bitcast3A_473, 1 {pack_format = #tpu.pack_format<interleaved>} : vector<32xbf16> -> vector<16xf32>
      %mul3A_476 = arith.mulf %unpack3A_471, %unpack3A_474 : vector<16xf32>
      %add3A_477 = arith.addf %add3A_461, %mul3A_476 : vector<16xf32>
      %mul3A_478 = arith.mulf %unpack3A_472, %unpack3A_475 : vector<16xf32>
      %add3A_479 = arith.addf %add3A_477, %mul3A_478 : vector<16xf32>
      %add3A_480 = arith.constant 11 : i32
      %add3A_481 = vector.broadcast %add3A_480 : i32 to vector<16xi32>
      %add3A_482 = arith.addi %mul3A_268, %add3A_481 : vector<16xi32>
      %gather3A_483 = tpu.vector_load_idx %arg12[%add3A_260, %add3A_482] : memref<256x128xi32, #tpu.memory_space<vmem>>[vector<16xi32>, vector<16xi32>], vector<16xi32>,
      %add3A_484 = arith.constant 11 : i32
      %add3A_485 = vector.broadcast %add3A_484 : i32 to vector<16xi32>
      %add3A_486 = arith.addi %mul3A_279, %add3A_485 : vector<16xi32>
      %gather3A_487 = tpu.vector_load_idx %arg13[%add3A_260, %add3A_486] : memref<256x128xi32, #tpu.memory_space<vmem>>[vector<16xi32>, vector<16xi32>], vector<16xi32>,
      %bitcast3A_488 = vector.bitcast %gather3A_483 : vector<16xi32> to vector<32xbf16>
      %unpack3A_489 = tpu.unpack_subelements %bitcast3A_488, 0 {pack_format = #tpu.pack_format<interleaved>} : vector<32xbf16> -> vector<16xf32>
      %unpack3A_490 = tpu.unpack_subelements %bitcast3A_488, 1 {pack_format = #tpu.pack_format<interleaved>} : vector<32xbf16> -> vector<16xf32>
      %bitcast3A_491 = vector.bitcast %gather3A_487 : vector<16xi32> to vector<32xbf16>
      %unpack3A_492 = tpu.unpack_subelements %bitcast3A_491, 0 {pack_format = #tpu.pack_format<interleaved>} : vector<32xbf16> -> vector<16xf32>
      %unpack3A_493 = tpu.unpack_subelements %bitcast3A_491, 1 {pack_format = #tpu.pack_format<interleaved>} : vector<32xbf16> -> vector<16xf32>
      %mul3A_494 = arith.mulf %unpack3A_489, %unpack3A_492 : vector<16xf32>
      %add3A_495 = arith.addf %add3A_479, %mul3A_494 : vector<16xf32>
      %mul3A_496 = arith.mulf %unpack3A_490, %unpack3A_493 : vector<16xf32>
      %add3A_497 = arith.addf %add3A_495, %mul3A_496 : vector<16xf32>
      %add3A_498 = arith.constant 12 : i32
      %add3A_499 = vector.broadcast %add3A_498 : i32 to vector<16xi32>
      %add3A_500 = arith.addi %mul3A_268, %add3A_499 : vector<16xi32>
      %gather3A_501 = tpu.vector_load_idx %arg12[%add3A_260, %add3A_500] : memref<256x128xi32, #tpu.memory_space<vmem>>[vector<16xi32>, vector<16xi32>], vector<16xi32>,
      %add3A_502 = arith.constant 12 : i32
      %add3A_503 = vector.broadcast %add3A_502 : i32 to vector<16xi32>
      %add3A_504 = arith.addi %mul3A_279, %add3A_503 : vector<16xi32>
      %gather3A_505 = tpu.vector_load_idx %arg13[%add3A_260, %add3A_504] : memref<256x128xi32, #tpu.memory_space<vmem>>[vector<16xi32>, vector<16xi32>], vector<16xi32>,
      %bitcast3A_506 = vector.bitcast %gather3A_501 : vector<16xi32> to vector<32xbf16>
      %unpack3A_507 = tpu.unpack_subelements %bitcast3A_506, 0 {pack_format = #tpu.pack_format<interleaved>} : vector<32xbf16> -> vector<16xf32>
      %unpack3A_508 = tpu.unpack_subelements %bitcast3A_506, 1 {pack_format = #tpu.pack_format<interleaved>} : vector<32xbf16> -> vector<16xf32>
      %bitcast3A_509 = vector.bitcast %gather3A_505 : vector<16xi32> to vector<32xbf16>
      %unpack3A_510 = tpu.unpack_subelements %bitcast3A_509, 0 {pack_format = #tpu.pack_format<interleaved>} : vector<32xbf16> -> vector<16xf32>
      %unpack3A_511 = tpu.unpack_subelements %bitcast3A_509, 1 {pack_format = #tpu.pack_format<interleaved>} : vector<32xbf16> -> vector<16xf32>
      %mul3A_512 = arith.mulf %unpack3A_507, %unpack3A_510 : vector<16xf32>
      %add3A_513 = arith.addf %add3A_497, %mul3A_512 : vector<16xf32>
      %mul3A_514 = arith.mulf %unpack3A_508, %unpack3A_511 : vector<16xf32>
      %add3A_515 = arith.addf %add3A_513, %mul3A_514 : vector<16xf32>
      %add3A_516 = arith.constant 13 : i32
      %add3A_517 = vector.broadcast %add3A_516 : i32 to vector<16xi32>
      %add3A_518 = arith.addi %mul3A_268, %add3A_517 : vector<16xi32>
      %gather3A_519 = tpu.vector_load_idx %arg12[%add3A_260, %add3A_518] : memref<256x128xi32, #tpu.memory_space<vmem>>[vector<16xi32>, vector<16xi32>], vector<16xi32>,
      %add3A_520 = arith.constant 13 : i32
      %add3A_521 = vector.broadcast %add3A_520 : i32 to vector<16xi32>
      %add3A_522 = arith.addi %mul3A_279, %add3A_521 : vector<16xi32>
      %gather3A_523 = tpu.vector_load_idx %arg13[%add3A_260, %add3A_522] : memref<256x128xi32, #tpu.memory_space<vmem>>[vector<16xi32>, vector<16xi32>], vector<16xi32>,
      %bitcast3A_524 = vector.bitcast %gather3A_519 : vector<16xi32> to vector<32xbf16>
      %unpack3A_525 = tpu.unpack_subelements %bitcast3A_524, 0 {pack_format = #tpu.pack_format<interleaved>} : vector<32xbf16> -> vector<16xf32>
      %unpack3A_526 = tpu.unpack_subelements %bitcast3A_524, 1 {pack_format = #tpu.pack_format<interleaved>} : vector<32xbf16> -> vector<16xf32>
      %bitcast3A_527 = vector.bitcast %gather3A_523 : vector<16xi32> to vector<32xbf16>
      %unpack3A_528 = tpu.unpack_subelements %bitcast3A_527, 0 {pack_format = #tpu.pack_format<interleaved>} : vector<32xbf16> -> vector<16xf32>
      %unpack3A_529 = tpu.unpack_subelements %bitcast3A_527, 1 {pack_format = #tpu.pack_format<interleaved>} : vector<32xbf16> -> vector<16xf32>
      %mul3A_530 = arith.mulf %unpack3A_525, %unpack3A_528 : vector<16xf32>
      %add3A_531 = arith.addf %add3A_515, %mul3A_530 : vector<16xf32>
      %mul3A_532 = arith.mulf %unpack3A_526, %unpack3A_529 : vector<16xf32>
      %add3A_533 = arith.addf %add3A_531, %mul3A_532 : vector<16xf32>
      %add3A_534 = arith.constant 14 : i32
      %add3A_535 = vector.broadcast %add3A_534 : i32 to vector<16xi32>
      %add3A_536 = arith.addi %mul3A_268, %add3A_535 : vector<16xi32>
      %gather3A_537 = tpu.vector_load_idx %arg12[%add3A_260, %add3A_536] : memref<256x128xi32, #tpu.memory_space<vmem>>[vector<16xi32>, vector<16xi32>], vector<16xi32>,
      %add3A_538 = arith.constant 14 : i32
      %add3A_539 = vector.broadcast %add3A_538 : i32 to vector<16xi32>
      %add3A_540 = arith.addi %mul3A_279, %add3A_539 : vector<16xi32>
      %gather3A_541 = tpu.vector_load_idx %arg13[%add3A_260, %add3A_540] : memref<256x128xi32, #tpu.memory_space<vmem>>[vector<16xi32>, vector<16xi32>], vector<16xi32>,
      %bitcast3A_542 = vector.bitcast %gather3A_537 : vector<16xi32> to vector<32xbf16>
      %unpack3A_543 = tpu.unpack_subelements %bitcast3A_542, 0 {pack_format = #tpu.pack_format<interleaved>} : vector<32xbf16> -> vector<16xf32>
      %unpack3A_544 = tpu.unpack_subelements %bitcast3A_542, 1 {pack_format = #tpu.pack_format<interleaved>} : vector<32xbf16> -> vector<16xf32>
      %bitcast3A_545 = vector.bitcast %gather3A_541 : vector<16xi32> to vector<32xbf16>
      %unpack3A_546 = tpu.unpack_subelements %bitcast3A_545, 0 {pack_format = #tpu.pack_format<interleaved>} : vector<32xbf16> -> vector<16xf32>
      %unpack3A_547 = tpu.unpack_subelements %bitcast3A_545, 1 {pack_format = #tpu.pack_format<interleaved>} : vector<32xbf16> -> vector<16xf32>
      %mul3A_548 = arith.mulf %unpack3A_543, %unpack3A_546 : vector<16xf32>
      %add3A_549 = arith.addf %add3A_533, %mul3A_548 : vector<16xf32>
      %mul3A_550 = arith.mulf %unpack3A_544, %unpack3A_547 : vector<16xf32>
      %add3A_551 = arith.addf %add3A_549, %mul3A_550 : vector<16xf32>
      %add3A_552 = arith.constant 15 : i32
      %add3A_553 = vector.broadcast %add3A_552 : i32 to vector<16xi32>
      %add3A_554 = arith.addi %mul3A_268, %add3A_553 : vector<16xi32>
      %gather3A_555 = tpu.vector_load_idx %arg12[%add3A_260, %add3A_554] : memref<256x128xi32, #tpu.memory_space<vmem>>[vector<16xi32>, vector<16xi32>], vector<16xi32>,
      %add3A_556 = arith.constant 15 : i32
      %add3A_557 = vector.broadcast %add3A_556 : i32 to vector<16xi32>
      %add3A_558 = arith.addi %mul3A_279, %add3A_557 : vector<16xi32>
      %gather3A_559 = tpu.vector_load_idx %arg13[%add3A_260, %add3A_558] : memref<256x128xi32, #tpu.memory_space<vmem>>[vector<16xi32>, vector<16xi32>], vector<16xi32>,
      %bitcast3A_560 = vector.bitcast %gather3A_555 : vector<16xi32> to vector<32xbf16>
      %unpack3A_561 = tpu.unpack_subelements %bitcast3A_560, 0 {pack_format = #tpu.pack_format<interleaved>} : vector<32xbf16> -> vector<16xf32>
      %unpack3A_562 = tpu.unpack_subelements %bitcast3A_560, 1 {pack_format = #tpu.pack_format<interleaved>} : vector<32xbf16> -> vector<16xf32>
      %bitcast3A_563 = vector.bitcast %gather3A_559 : vector<16xi32> to vector<32xbf16>
      %unpack3A_564 = tpu.unpack_subelements %bitcast3A_563, 0 {pack_format = #tpu.pack_format<interleaved>} : vector<32xbf16> -> vector<16xf32>
      %unpack3A_565 = tpu.unpack_subelements %bitcast3A_563, 1 {pack_format = #tpu.pack_format<interleaved>} : vector<32xbf16> -> vector<16xf32>
      %mul3A_566 = arith.mulf %unpack3A_561, %unpack3A_564 : vector<16xf32>
      %add3A_567 = arith.addf %add3A_551, %mul3A_566 : vector<16xf32>
      %mul3A_568 = arith.mulf %unpack3A_562, %unpack3A_565 : vector<16xf32>
      %add3A_569 = arith.addf %add3A_567, %mul3A_568 : vector<16xf32>
      %swap3A = arith.index_cast %add3A_256 : i32 to index
      %swap3A_570 = tpu.vector_load %arg16[%swap3A] {strides = array<i32>} : memref<512xf32, #tpu.memory_space<vmem>>, vector<16xf32>,
      tpu.vector_store %arg16[%swap3A], %add3A_569 {strides = array<i32>} : memref<512xf32, #tpu.memory_space<vmem>>, vector<16xf32>,
      %scan3A_571 = arith.constant 0 : i32
      scf.yield %scan3A_571 : i32
    }
    %scan3A_179 = arith.constant 16 : i32
    %dma_start3A_180 = arith.constant 0 : i32
    %dma_start3A_181 = arith.constant 0 : i32
    %dma_start3A_182 = tpu.memref_slice %arg12[%dma_start3A_180, %dma_start3A_181] : memref<256x128xi32, #tpu.memory_space<vmem>> -> memref<128x128xi32, #tpu.memory_space<vmem>>
    %dma_start3A_183 = arith.constant 256 : i32
    %dma_start3A_184 = tpu.memref_slice %arg10[%dma_start3A_183] : memref<512xi32, #tpu.memory_space<vmem>> -> memref<128xi32, #tpu.memory_space<vmem>>
    %dma_start3A_185 = arith.constant 0 : i32
    %dma_start3A_186 = arith.constant 0 : i32
    %dma_start3A_187 = tpu.memref_slice %arg3[%dma_start3A_185, %dma_start3A_186] : memref<131072x128xi32, #tpu.memory_space<hbm>> -> memref<131072x128xi32, #tpu.memory_space<hbm>>
    tpu.enqueue_indirect_dma source(%dma_start3A_187 : memref<131072x128xi32, #tpu.memory_space<hbm>>) target(%dma_start3A_182 : memref<128x128xi32, #tpu.memory_space<vmem>>) offsets(%dma_start3A_184 : memref<128xi32, #tpu.memory_space<vmem>>) semaphore(%arg18 : memref<!tpu.dma_semaphore, #tpu.memory_space<semaphore_mem>>)
    %dma_start3A_188 = arith.constant 0 : i32
    %dma_start3A_189 = arith.constant 0 : i32
    %dma_start3A_190 = tpu.memref_slice %arg13[%dma_start3A_188, %dma_start3A_189] : memref<256x128xi32, #tpu.memory_space<vmem>> -> memref<128x128xi32, #tpu.memory_space<vmem>>
    %dma_start3A_191 = arith.constant 256 : i32
    %dma_start3A_192 = tpu.memref_slice %arg11[%dma_start3A_191] : memref<512xi32, #tpu.memory_space<vmem>> -> memref<128xi32, #tpu.memory_space<vmem>>
    %dma_start3A_193 = arith.constant 0 : i32
    %dma_start3A_194 = arith.constant 0 : i32
    %dma_start3A_195 = tpu.memref_slice %arg4[%dma_start3A_193, %dma_start3A_194] : memref<131072x128xi32, #tpu.memory_space<hbm>> -> memref<131072x128xi32, #tpu.memory_space<hbm>>
    tpu.enqueue_indirect_dma source(%dma_start3A_195 : memref<131072x128xi32, #tpu.memory_space<hbm>>) target(%dma_start3A_190 : memref<128x128xi32, #tpu.memory_space<vmem>>) offsets(%dma_start3A_192 : memref<128xi32, #tpu.memory_space<vmem>>) semaphore(%arg18 : memref<!tpu.dma_semaphore, #tpu.memory_space<semaphore_mem>>)
    %dma_start3A_196 = arith.constant 128 : i32
    %dma_start3A_197 = arith.constant 0 : i32
    %dma_start3A_198 = tpu.memref_slice %arg12[%dma_start3A_196, %dma_start3A_197] : memref<256x128xi32, #tpu.memory_space<vmem>> -> memref<128x128xi32, #tpu.memory_space<vmem>>
    %dma_start3A_199 = arith.constant 384 : i32
    %dma_start3A_200 = tpu.memref_slice %arg10[%dma_start3A_199] : memref<512xi32, #tpu.memory_space<vmem>> -> memref<128xi32, #tpu.memory_space<vmem>>
    %dma_start3A_201 = arith.constant 0 : i32
    %dma_start3A_202 = arith.constant 0 : i32
    %dma_start3A_203 = tpu.memref_slice %arg3[%dma_start3A_201, %dma_start3A_202] : memref<131072x128xi32, #tpu.memory_space<hbm>> -> memref<131072x128xi32, #tpu.memory_space<hbm>>
    tpu.enqueue_indirect_dma source(%dma_start3A_203 : memref<131072x128xi32, #tpu.memory_space<hbm>>) target(%dma_start3A_198 : memref<128x128xi32, #tpu.memory_space<vmem>>) offsets(%dma_start3A_200 : memref<128xi32, #tpu.memory_space<vmem>>) semaphore(%arg18 : memref<!tpu.dma_semaphore, #tpu.memory_space<semaphore_mem>>)
    %dma_start3A_204 = arith.constant 128 : i32
    %dma_start3A_205 = arith.constant 0 : i32
    %dma_start3A_206 = tpu.memref_slice %arg13[%dma_start3A_204, %dma_start3A_205] : memref<256x128xi32, #tpu.memory_space<vmem>> -> memref<128x128xi32, #tpu.memory_space<vmem>>
    %dma_start3A_207 = arith.constant 384 : i32
    %dma_start3A_208 = tpu.memref_slice %arg11[%dma_start3A_207] : memref<512xi32, #tpu.memory_space<vmem>> -> memref<128xi32, #tpu.memory_space<vmem>>
    %dma_start3A_209 = arith.constant 0 : i32
    %dma_start3A_210 = arith.constant 0 : i32
    %dma_start3A_211 = tpu.memref_slice %arg4[%dma_start3A_209, %dma_start3A_210] : memref<131072x128xi32, #tpu.memory_space<hbm>> -> memref<131072x128xi32, #tpu.memory_space<hbm>>
    tpu.enqueue_indirect_dma source(%dma_start3A_211 : memref<131072x128xi32, #tpu.memory_space<hbm>>) target(%dma_start3A_206 : memref<128x128xi32, #tpu.memory_space<vmem>>) offsets(%dma_start3A_208 : memref<128xi32, #tpu.memory_space<vmem>>) semaphore(%arg18 : memref<!tpu.dma_semaphore, #tpu.memory_space<semaphore_mem>>)
    %dma_wait3A_212 = arith.constant 0 : i32
    %dma_wait3A_213 = arith.constant 0 : i32
    %dma_wait3A_214 = tpu.memref_slice %arg12[%dma_wait3A_212, %dma_wait3A_213] : memref<256x128xi32, #tpu.memory_space<vmem>> -> memref<128x128xi32, #tpu.memory_space<vmem>>
    %dma_wait3A_215 = arith.constant 256 : i32
    %dma_wait3A_216 = tpu.memref_slice %arg10[%dma_wait3A_215] : memref<512xi32, #tpu.memory_space<vmem>> -> memref<128xi32, #tpu.memory_space<vmem>>
    %dma_wait3A_217 = arith.constant 0 : i32
    %dma_wait3A_218 = arith.constant 0 : i32
    %dma_wait3A_219 = tpu.memref_slice %arg3[%dma_wait3A_217, %dma_wait3A_218] : memref<131072x128xi32, #tpu.memory_space<hbm>> -> memref<131072x128xi32, #tpu.memory_space<hbm>>
    tpu.wait_indirect_dma semaphore(%arg18 : memref<!tpu.dma_semaphore, #tpu.memory_space<semaphore_mem>>) src(%dma_wait3A_219 : memref<131072x128xi32, #tpu.memory_space<hbm>>) dst(%dma_wait3A_214 : memref<128x128xi32, #tpu.memory_space<vmem>>)
    %dma_wait3A_220 = arith.constant 0 : i32
    %dma_wait3A_221 = arith.constant 0 : i32
    %dma_wait3A_222 = tpu.memref_slice %arg13[%dma_wait3A_220, %dma_wait3A_221] : memref<256x128xi32, #tpu.memory_space<vmem>> -> memref<128x128xi32, #tpu.memory_space<vmem>>
    %dma_wait3A_223 = arith.constant 256 : i32
    %dma_wait3A_224 = tpu.memref_slice %arg11[%dma_wait3A_223] : memref<512xi32, #tpu.memory_space<vmem>> -> memref<128xi32, #tpu.memory_space<vmem>>
    %dma_wait3A_225 = arith.constant 0 : i32
    %dma_wait3A_226 = arith.constant 0 : i32
    %dma_wait3A_227 = tpu.memref_slice %arg4[%dma_wait3A_225, %dma_wait3A_226] : memref<131072x128xi32, #tpu.memory_space<hbm>> -> memref<131072x128xi32, #tpu.memory_space<hbm>>
    tpu.wait_indirect_dma semaphore(%arg18 : memref<!tpu.dma_semaphore, #tpu.memory_space<semaphore_mem>>) src(%dma_wait3A_227 : memref<131072x128xi32, #tpu.memory_space<hbm>>) dst(%dma_wait3A_222 : memref<128x128xi32, #tpu.memory_space<vmem>>)
    %dma_wait3A_228 = arith.constant 128 : i32
    %dma_wait3A_229 = arith.constant 0 : i32
    %dma_wait3A_230 = tpu.memref_slice %arg12[%dma_wait3A_228, %dma_wait3A_229] : memref<256x128xi32, #tpu.memory_space<vmem>> -> memref<128x128xi32, #tpu.memory_space<vmem>>
    %dma_wait3A_231 = arith.constant 384 : i32
    %dma_wait3A_232 = tpu.memref_slice %arg10[%dma_wait3A_231] : memref<512xi32, #tpu.memory_space<vmem>> -> memref<128xi32, #tpu.memory_space<vmem>>
    %dma_wait3A_233 = arith.constant 0 : i32
    %dma_wait3A_234 = arith.constant 0 : i32
    %dma_wait3A_235 = tpu.memref_slice %arg3[%dma_wait3A_233, %dma_wait3A_234] : memref<131072x128xi32, #tpu.memory_space<hbm>> -> memref<131072x128xi32, #tpu.memory_space<hbm>>
    tpu.wait_indirect_dma semaphore(%arg18 : memref<!tpu.dma_semaphore, #tpu.memory_space<semaphore_mem>>) src(%dma_wait3A_235 : memref<131072x128xi32, #tpu.memory_space<hbm>>) dst(%dma_wait3A_230 : memref<128x128xi32, #tpu.memory_space<vmem>>)
    %dma_wait3A_236 = arith.constant 128 : i32
    %dma_wait3A_237 = arith.constant 0 : i32
    %dma_wait3A_238 = tpu.memref_slice %arg13[%dma_wait3A_236, %dma_wait3A_237] : memref<256x128xi32, #tpu.memory_space<vmem>> -> memref<128x128xi32, #tpu.memory_space<vmem>>
    %dma_wait3A_239 = arith.constant 384 : i32
    %dma_wait3A_240 = tpu.memref_slice %arg11[%dma_wait3A_239] : memref<512xi32, #tpu.memory_space<vmem>> -> memref<128xi32, #tpu.memory_space<vmem>>
    %dma_wait3A_241 = arith.constant 0 : i32
    %dma_wait3A_242 = arith.constant 0 : i32
    %dma_wait3A_243 = tpu.memref_slice %arg4[%dma_wait3A_241, %dma_wait3A_242] : memref<131072x128xi32, #tpu.memory_space<hbm>> -> memref<131072x128xi32, #tpu.memory_space<hbm>>
    tpu.wait_indirect_dma semaphore(%arg18 : memref<!tpu.dma_semaphore, #tpu.memory_space<semaphore_mem>>) src(%dma_wait3A_243 : memref<131072x128xi32, #tpu.memory_space<hbm>>) dst(%dma_wait3A_238 : memref<128x128xi32, #tpu.memory_space<vmem>>)
    %scan3A_244 = arith.constant 0 : i32
    %scan3A_245 = arith.constant 0 : i32
    %scan3A_246 = arith.constant 16 : i32
    %scan3A_247 = arith.addi %scan3A_245, %scan3A_246 : i32
    %scan3A_248 = arith.constant 1 : i32
    %scan3A_249 = scf.for %scan3A_251 = %scan3A_245 to %scan3A_247 step %scan3A_248 iter_args(%scan3A_252 = %scan3A_244) -> (i32)  : i32 {
      %mul3A_253 = arith.constant 16 : i32
      %mul3A_254 = arith.muli %scan3A_251, %mul3A_253 : i32
      %add3A_255 = arith.constant 256 : i32
      %add3A_256 = arith.addi %add3A_255, %mul3A_254 : i32
      %iota3A = tpu.iota {dimensions = array<i32: 0>} : vector<16xi32>
      %mul3A_257 = arith.constant 16 : i32
      %mul3A_258 = arith.muli %scan3A_251, %mul3A_257 : i32
      %add3A_259 = vector.broadcast %mul3A_258 : i32 to vector<16xi32>
      %add3A_260 = arith.addi %iota3A, %add3A_259 : vector<16xi32>
      %get3A = arith.index_cast %add3A_256 : i32 to index
      %get3A_261 = tpu.vector_load %arg8[%get3A] {strides = array<i32>} : memref<512xi32, #tpu.memory_space<vmem>>, vector<16xi32>,
      %shift_right_logical3A = arith.constant 13 : i32
      %shift_right_logical3A_262 = vector.broadcast %shift_right_logical3A : i32 to vector<16xi32>
      %shift_right_logical3A_263 = arith.shrui %get3A_261, %shift_right_logical3A_262 : vector<16xi32>
      %and3A = arith.constant 7 : i32
      %and3A_264 = vector.broadcast %and3A : i32 to vector<16xi32>
      %and3A_265 = arith.andi %shift_right_logical3A_263, %and3A_264 : vector<16xi32>
      %mul3A_266 = arith.constant 16 : i32
      %mul3A_267 = vector.broadcast %mul3A_266 : i32 to vector<16xi32>
      %mul3A_268 = arith.muli %and3A_265, %mul3A_267 : vector<16xi32>
      %get3A_269 = arith.index_cast %add3A_256 : i32 to index
      %get3A_270 = tpu.vector_load %arg9[%get3A_269] {strides = array<i32>} : memref<512xi32, #tpu.memory_space<vmem>>, vector<16xi32>,
      %shift_right_logical3A_271 = arith.constant 13 : i32
      %shift_right_logical3A_272 = vector.broadcast %shift_right_logical3A_271 : i32 to vector<16xi32>
      %shift_right_logical3A_273 = arith.shrui %get3A_270, %shift_right_logical3A_272 : vector<16xi32>
      %and3A_274 = arith.constant 7 : i32
      %and3A_275 = vector.broadcast %and3A_274 : i32 to vector<16xi32>
      %and3A_276 = arith.andi %shift_right_logical3A_273, %and3A_275 : vector<16xi32>
      %mul3A_277 = arith.constant 16 : i32
      %mul3A_278 = vector.broadcast %mul3A_277 : i32 to vector<16xi32>
      %mul3A_279 = arith.muli %and3A_276, %mul3A_278 : vector<16xi32>
      %get3A_280 = arith.index_cast %add3A_256 : i32 to index
      %get3A_281 = tpu.vector_load %arg14[%get3A_280] {strides = array<i32>} : memref<512xf32, #tpu.memory_space<vmem>>, vector<16xf32>,
      %get3A_282 = arith.index_cast %add3A_256 : i32 to index
      %get3A_283 = tpu.vector_load %arg15[%get3A_282] {strides = array<i32>} : memref<512xf32, #tpu.memory_space<vmem>>, vector<16xf32>,
      %add3A_284 = arith.addf %get3A_281, %get3A_283 : vector<16xf32>
      %add3A_285 = arith.constant 0 : i32
      %add3A_286 = vector.broadcast %add3A_285 : i32 to vector<16xi32>
      %add3A_287 = arith.addi %mul3A_268, %add3A_286 : vector<16xi32>
      %gather3A = tpu.vector_load_idx %arg12[%add3A_260, %add3A_287] : memref<256x128xi32, #tpu.memory_space<vmem>>[vector<16xi32>, vector<16xi32>], vector<16xi32>,
      %add3A_288 = arith.constant 0 : i32
      %add3A_289 = vector.broadcast %add3A_288 : i32 to vector<16xi32>
      %add3A_290 = arith.addi %mul3A_279, %add3A_289 : vector<16xi32>
      %gather3A_291 = tpu.vector_load_idx %arg13[%add3A_260, %add3A_290] : memref<256x128xi32, #tpu.memory_space<vmem>>[vector<16xi32>, vector<16xi32>], vector<16xi32>,
      %bitcast3A = vector.bitcast %gather3A : vector<16xi32> to vector<32xbf16>
      %unpack3A = tpu.unpack_subelements %bitcast3A, 0 {pack_format = #tpu.pack_format<interleaved>} : vector<32xbf16> -> vector<16xf32>
      %unpack3A_292 = tpu.unpack_subelements %bitcast3A, 1 {pack_format = #tpu.pack_format<interleaved>} : vector<32xbf16> -> vector<16xf32>
      %bitcast3A_293 = vector.bitcast %gather3A_291 : vector<16xi32> to vector<32xbf16>
      %unpack3A_294 = tpu.unpack_subelements %bitcast3A_293, 0 {pack_format = #tpu.pack_format<interleaved>} : vector<32xbf16> -> vector<16xf32>
      %unpack3A_295 = tpu.unpack_subelements %bitcast3A_293, 1 {pack_format = #tpu.pack_format<interleaved>} : vector<32xbf16> -> vector<16xf32>
      %mul3A_296 = arith.mulf %unpack3A, %unpack3A_294 : vector<16xf32>
      %add3A_297 = arith.addf %add3A_284, %mul3A_296 : vector<16xf32>
      %mul3A_298 = arith.mulf %unpack3A_292, %unpack3A_295 : vector<16xf32>
      %add3A_299 = arith.addf %add3A_297, %mul3A_298 : vector<16xf32>
      %add3A_300 = arith.constant 1 : i32
      %add3A_301 = vector.broadcast %add3A_300 : i32 to vector<16xi32>
      %add3A_302 = arith.addi %mul3A_268, %add3A_301 : vector<16xi32>
      %gather3A_303 = tpu.vector_load_idx %arg12[%add3A_260, %add3A_302] : memref<256x128xi32, #tpu.memory_space<vmem>>[vector<16xi32>, vector<16xi32>], vector<16xi32>,
      %add3A_304 = arith.constant 1 : i32
      %add3A_305 = vector.broadcast %add3A_304 : i32 to vector<16xi32>
      %add3A_306 = arith.addi %mul3A_279, %add3A_305 : vector<16xi32>
      %gather3A_307 = tpu.vector_load_idx %arg13[%add3A_260, %add3A_306] : memref<256x128xi32, #tpu.memory_space<vmem>>[vector<16xi32>, vector<16xi32>], vector<16xi32>,
      %bitcast3A_308 = vector.bitcast %gather3A_303 : vector<16xi32> to vector<32xbf16>
      %unpack3A_309 = tpu.unpack_subelements %bitcast3A_308, 0 {pack_format = #tpu.pack_format<interleaved>} : vector<32xbf16> -> vector<16xf32>
      %unpack3A_310 = tpu.unpack_subelements %bitcast3A_308, 1 {pack_format = #tpu.pack_format<interleaved>} : vector<32xbf16> -> vector<16xf32>
      %bitcast3A_311 = vector.bitcast %gather3A_307 : vector<16xi32> to vector<32xbf16>
      %unpack3A_312 = tpu.unpack_subelements %bitcast3A_311, 0 {pack_format = #tpu.pack_format<interleaved>} : vector<32xbf16> -> vector<16xf32>
      %unpack3A_313 = tpu.unpack_subelements %bitcast3A_311, 1 {pack_format = #tpu.pack_format<interleaved>} : vector<32xbf16> -> vector<16xf32>
      %mul3A_314 = arith.mulf %unpack3A_309, %unpack3A_312 : vector<16xf32>
      %add3A_315 = arith.addf %add3A_299, %mul3A_314 : vector<16xf32>
      %mul3A_316 = arith.mulf %unpack3A_310, %unpack3A_313 : vector<16xf32>
      %add3A_317 = arith.addf %add3A_315, %mul3A_316 : vector<16xf32>
      %add3A_318 = arith.constant 2 : i32
      %add3A_319 = vector.broadcast %add3A_318 : i32 to vector<16xi32>
      %add3A_320 = arith.addi %mul3A_268, %add3A_319 : vector<16xi32>
      %gather3A_321 = tpu.vector_load_idx %arg12[%add3A_260, %add3A_320] : memref<256x128xi32, #tpu.memory_space<vmem>>[vector<16xi32>, vector<16xi32>], vector<16xi32>,
      %add3A_322 = arith.constant 2 : i32
      %add3A_323 = vector.broadcast %add3A_322 : i32 to vector<16xi32>
      %add3A_324 = arith.addi %mul3A_279, %add3A_323 : vector<16xi32>
      %gather3A_325 = tpu.vector_load_idx %arg13[%add3A_260, %add3A_324] : memref<256x128xi32, #tpu.memory_space<vmem>>[vector<16xi32>, vector<16xi32>], vector<16xi32>,
      %bitcast3A_326 = vector.bitcast %gather3A_321 : vector<16xi32> to vector<32xbf16>
      %unpack3A_327 = tpu.unpack_subelements %bitcast3A_326, 0 {pack_format = #tpu.pack_format<interleaved>} : vector<32xbf16> -> vector<16xf32>
      %unpack3A_328 = tpu.unpack_subelements %bitcast3A_326, 1 {pack_format = #tpu.pack_format<interleaved>} : vector<32xbf16> -> vector<16xf32>
      %bitcast3A_329 = vector.bitcast %gather3A_325 : vector<16xi32> to vector<32xbf16>
      %unpack3A_330 = tpu.unpack_subelements %bitcast3A_329, 0 {pack_format = #tpu.pack_format<interleaved>} : vector<32xbf16> -> vector<16xf32>
      %unpack3A_331 = tpu.unpack_subelements %bitcast3A_329, 1 {pack_format = #tpu.pack_format<interleaved>} : vector<32xbf16> -> vector<16xf32>
      %mul3A_332 = arith.mulf %unpack3A_327, %unpack3A_330 : vector<16xf32>
      %add3A_333 = arith.addf %add3A_317, %mul3A_332 : vector<16xf32>
      %mul3A_334 = arith.mulf %unpack3A_328, %unpack3A_331 : vector<16xf32>
      %add3A_335 = arith.addf %add3A_333, %mul3A_334 : vector<16xf32>
      %add3A_336 = arith.constant 3 : i32
      %add3A_337 = vector.broadcast %add3A_336 : i32 to vector<16xi32>
      %add3A_338 = arith.addi %mul3A_268, %add3A_337 : vector<16xi32>
      %gather3A_339 = tpu.vector_load_idx %arg12[%add3A_260, %add3A_338] : memref<256x128xi32, #tpu.memory_space<vmem>>[vector<16xi32>, vector<16xi32>], vector<16xi32>,
      %add3A_340 = arith.constant 3 : i32
      %add3A_341 = vector.broadcast %add3A_340 : i32 to vector<16xi32>
      %add3A_342 = arith.addi %mul3A_279, %add3A_341 : vector<16xi32>
      %gather3A_343 = tpu.vector_load_idx %arg13[%add3A_260, %add3A_342] : memref<256x128xi32, #tpu.memory_space<vmem>>[vector<16xi32>, vector<16xi32>], vector<16xi32>,
      %bitcast3A_344 = vector.bitcast %gather3A_339 : vector<16xi32> to vector<32xbf16>
      %unpack3A_345 = tpu.unpack_subelements %bitcast3A_344, 0 {pack_format = #tpu.pack_format<interleaved>} : vector<32xbf16> -> vector<16xf32>
      %unpack3A_346 = tpu.unpack_subelements %bitcast3A_344, 1 {pack_format = #tpu.pack_format<interleaved>} : vector<32xbf16> -> vector<16xf32>
      %bitcast3A_347 = vector.bitcast %gather3A_343 : vector<16xi32> to vector<32xbf16>
      %unpack3A_348 = tpu.unpack_subelements %bitcast3A_347, 0 {pack_format = #tpu.pack_format<interleaved>} : vector<32xbf16> -> vector<16xf32>
      %unpack3A_349 = tpu.unpack_subelements %bitcast3A_347, 1 {pack_format = #tpu.pack_format<interleaved>} : vector<32xbf16> -> vector<16xf32>
      %mul3A_350 = arith.mulf %unpack3A_345, %unpack3A_348 : vector<16xf32>
      %add3A_351 = arith.addf %add3A_335, %mul3A_350 : vector<16xf32>
      %mul3A_352 = arith.mulf %unpack3A_346, %unpack3A_349 : vector<16xf32>
      %add3A_353 = arith.addf %add3A_351, %mul3A_352 : vector<16xf32>
      %add3A_354 = arith.constant 4 : i32
      %add3A_355 = vector.broadcast %add3A_354 : i32 to vector<16xi32>
      %add3A_356 = arith.addi %mul3A_268, %add3A_355 : vector<16xi32>
      %gather3A_357 = tpu.vector_load_idx %arg12[%add3A_260, %add3A_356] : memref<256x128xi32, #tpu.memory_space<vmem>>[vector<16xi32>, vector<16xi32>], vector<16xi32>,
      %add3A_358 = arith.constant 4 : i32
      %add3A_359 = vector.broadcast %add3A_358 : i32 to vector<16xi32>
      %add3A_360 = arith.addi %mul3A_279, %add3A_359 : vector<16xi32>
      %gather3A_361 = tpu.vector_load_idx %arg13[%add3A_260, %add3A_360] : memref<256x128xi32, #tpu.memory_space<vmem>>[vector<16xi32>, vector<16xi32>], vector<16xi32>,
      %bitcast3A_362 = vector.bitcast %gather3A_357 : vector<16xi32> to vector<32xbf16>
      %unpack3A_363 = tpu.unpack_subelements %bitcast3A_362, 0 {pack_format = #tpu.pack_format<interleaved>} : vector<32xbf16> -> vector<16xf32>
      %unpack3A_364 = tpu.unpack_subelements %bitcast3A_362, 1 {pack_format = #tpu.pack_format<interleaved>} : vector<32xbf16> -> vector<16xf32>
      %bitcast3A_365 = vector.bitcast %gather3A_361 : vector<16xi32> to vector<32xbf16>
      %unpack3A_366 = tpu.unpack_subelements %bitcast3A_365, 0 {pack_format = #tpu.pack_format<interleaved>} : vector<32xbf16> -> vector<16xf32>
      %unpack3A_367 = tpu.unpack_subelements %bitcast3A_365, 1 {pack_format = #tpu.pack_format<interleaved>} : vector<32xbf16> -> vector<16xf32>
      %mul3A_368 = arith.mulf %unpack3A_363, %unpack3A_366 : vector<16xf32>
      %add3A_369 = arith.addf %add3A_353, %mul3A_368 : vector<16xf32>
      %mul3A_370 = arith.mulf %unpack3A_364, %unpack3A_367 : vector<16xf32>
      %add3A_371 = arith.addf %add3A_369, %mul3A_370 : vector<16xf32>
      %add3A_372 = arith.constant 5 : i32
      %add3A_373 = vector.broadcast %add3A_372 : i32 to vector<16xi32>
      %add3A_374 = arith.addi %mul3A_268, %add3A_373 : vector<16xi32>
      %gather3A_375 = tpu.vector_load_idx %arg12[%add3A_260, %add3A_374] : memref<256x128xi32, #tpu.memory_space<vmem>>[vector<16xi32>, vector<16xi32>], vector<16xi32>,
      %add3A_376 = arith.constant 5 : i32
      %add3A_377 = vector.broadcast %add3A_376 : i32 to vector<16xi32>
      %add3A_378 = arith.addi %mul3A_279, %add3A_377 : vector<16xi32>
      %gather3A_379 = tpu.vector_load_idx %arg13[%add3A_260, %add3A_378] : memref<256x128xi32, #tpu.memory_space<vmem>>[vector<16xi32>, vector<16xi32>], vector<16xi32>,
      %bitcast3A_380 = vector.bitcast %gather3A_375 : vector<16xi32> to vector<32xbf16>
      %unpack3A_381 = tpu.unpack_subelements %bitcast3A_380, 0 {pack_format = #tpu.pack_format<interleaved>} : vector<32xbf16> -> vector<16xf32>
      %unpack3A_382 = tpu.unpack_subelements %bitcast3A_380, 1 {pack_format = #tpu.pack_format<interleaved>} : vector<32xbf16> -> vector<16xf32>
      %bitcast3A_383 = vector.bitcast %gather3A_379 : vector<16xi32> to vector<32xbf16>
      %unpack3A_384 = tpu.unpack_subelements %bitcast3A_383, 0 {pack_format = #tpu.pack_format<interleaved>} : vector<32xbf16> -> vector<16xf32>
      %unpack3A_385 = tpu.unpack_subelements %bitcast3A_383, 1 {pack_format = #tpu.pack_format<interleaved>} : vector<32xbf16> -> vector<16xf32>
      %mul3A_386 = arith.mulf %unpack3A_381, %unpack3A_384 : vector<16xf32>
      %add3A_387 = arith.addf %add3A_371, %mul3A_386 : vector<16xf32>
      %mul3A_388 = arith.mulf %unpack3A_382, %unpack3A_385 : vector<16xf32>
      %add3A_389 = arith.addf %add3A_387, %mul3A_388 : vector<16xf32>
      %add3A_390 = arith.constant 6 : i32
      %add3A_391 = vector.broadcast %add3A_390 : i32 to vector<16xi32>
      %add3A_392 = arith.addi %mul3A_268, %add3A_391 : vector<16xi32>
      %gather3A_393 = tpu.vector_load_idx %arg12[%add3A_260, %add3A_392] : memref<256x128xi32, #tpu.memory_space<vmem>>[vector<16xi32>, vector<16xi32>], vector<16xi32>,
      %add3A_394 = arith.constant 6 : i32
      %add3A_395 = vector.broadcast %add3A_394 : i32 to vector<16xi32>
      %add3A_396 = arith.addi %mul3A_279, %add3A_395 : vector<16xi32>
      %gather3A_397 = tpu.vector_load_idx %arg13[%add3A_260, %add3A_396] : memref<256x128xi32, #tpu.memory_space<vmem>>[vector<16xi32>, vector<16xi32>], vector<16xi32>,
      %bitcast3A_398 = vector.bitcast %gather3A_393 : vector<16xi32> to vector<32xbf16>
      %unpack3A_399 = tpu.unpack_subelements %bitcast3A_398, 0 {pack_format = #tpu.pack_format<interleaved>} : vector<32xbf16> -> vector<16xf32>
      %unpack3A_400 = tpu.unpack_subelements %bitcast3A_398, 1 {pack_format = #tpu.pack_format<interleaved>} : vector<32xbf16> -> vector<16xf32>
      %bitcast3A_401 = vector.bitcast %gather3A_397 : vector<16xi32> to vector<32xbf16>
      %unpack3A_402 = tpu.unpack_subelements %bitcast3A_401, 0 {pack_format = #tpu.pack_format<interleaved>} : vector<32xbf16> -> vector<16xf32>
      %unpack3A_403 = tpu.unpack_subelements %bitcast3A_401, 1 {pack_format = #tpu.pack_format<interleaved>} : vector<32xbf16> -> vector<16xf32>
      %mul3A_404 = arith.mulf %unpack3A_399, %unpack3A_402 : vector<16xf32>
      %add3A_405 = arith.addf %add3A_389, %mul3A_404 : vector<16xf32>
      %mul3A_406 = arith.mulf %unpack3A_400, %unpack3A_403 : vector<16xf32>
      %add3A_407 = arith.addf %add3A_405, %mul3A_406 : vector<16xf32>
      %add3A_408 = arith.constant 7 : i32
      %add3A_409 = vector.broadcast %add3A_408 : i32 to vector<16xi32>
      %add3A_410 = arith.addi %mul3A_268, %add3A_409 : vector<16xi32>
      %gather3A_411 = tpu.vector_load_idx %arg12[%add3A_260, %add3A_410] : memref<256x128xi32, #tpu.memory_space<vmem>>[vector<16xi32>, vector<16xi32>], vector<16xi32>,
      %add3A_412 = arith.constant 7 : i32
      %add3A_413 = vector.broadcast %add3A_412 : i32 to vector<16xi32>
      %add3A_414 = arith.addi %mul3A_279, %add3A_413 : vector<16xi32>
      %gather3A_415 = tpu.vector_load_idx %arg13[%add3A_260, %add3A_414] : memref<256x128xi32, #tpu.memory_space<vmem>>[vector<16xi32>, vector<16xi32>], vector<16xi32>,
      %bitcast3A_416 = vector.bitcast %gather3A_411 : vector<16xi32> to vector<32xbf16>
      %unpack3A_417 = tpu.unpack_subelements %bitcast3A_416, 0 {pack_format = #tpu.pack_format<interleaved>} : vector<32xbf16> -> vector<16xf32>
      %unpack3A_418 = tpu.unpack_subelements %bitcast3A_416, 1 {pack_format = #tpu.pack_format<interleaved>} : vector<32xbf16> -> vector<16xf32>
      %bitcast3A_419 = vector.bitcast %gather3A_415 : vector<16xi32> to vector<32xbf16>
      %unpack3A_420 = tpu.unpack_subelements %bitcast3A_419, 0 {pack_format = #tpu.pack_format<interleaved>} : vector<32xbf16> -> vector<16xf32>
      %unpack3A_421 = tpu.unpack_subelements %bitcast3A_419, 1 {pack_format = #tpu.pack_format<interleaved>} : vector<32xbf16> -> vector<16xf32>
      %mul3A_422 = arith.mulf %unpack3A_417, %unpack3A_420 : vector<16xf32>
      %add3A_423 = arith.addf %add3A_407, %mul3A_422 : vector<16xf32>
      %mul3A_424 = arith.mulf %unpack3A_418, %unpack3A_421 : vector<16xf32>
      %add3A_425 = arith.addf %add3A_423, %mul3A_424 : vector<16xf32>
      %add3A_426 = arith.constant 8 : i32
      %add3A_427 = vector.broadcast %add3A_426 : i32 to vector<16xi32>
      %add3A_428 = arith.addi %mul3A_268, %add3A_427 : vector<16xi32>
      %gather3A_429 = tpu.vector_load_idx %arg12[%add3A_260, %add3A_428] : memref<256x128xi32, #tpu.memory_space<vmem>>[vector<16xi32>, vector<16xi32>], vector<16xi32>,
      %add3A_430 = arith.constant 8 : i32
      %add3A_431 = vector.broadcast %add3A_430 : i32 to vector<16xi32>
      %add3A_432 = arith.addi %mul3A_279, %add3A_431 : vector<16xi32>
      %gather3A_433 = tpu.vector_load_idx %arg13[%add3A_260, %add3A_432] : memref<256x128xi32, #tpu.memory_space<vmem>>[vector<16xi32>, vector<16xi32>], vector<16xi32>,
      %bitcast3A_434 = vector.bitcast %gather3A_429 : vector<16xi32> to vector<32xbf16>
      %unpack3A_435 = tpu.unpack_subelements %bitcast3A_434, 0 {pack_format = #tpu.pack_format<interleaved>} : vector<32xbf16> -> vector<16xf32>
      %unpack3A_436 = tpu.unpack_subelements %bitcast3A_434, 1 {pack_format = #tpu.pack_format<interleaved>} : vector<32xbf16> -> vector<16xf32>
      %bitcast3A_437 = vector.bitcast %gather3A_433 : vector<16xi32> to vector<32xbf16>
      %unpack3A_438 = tpu.unpack_subelements %bitcast3A_437, 0 {pack_format = #tpu.pack_format<interleaved>} : vector<32xbf16> -> vector<16xf32>
      %unpack3A_439 = tpu.unpack_subelements %bitcast3A_437, 1 {pack_format = #tpu.pack_format<interleaved>} : vector<32xbf16> -> vector<16xf32>
      %mul3A_440 = arith.mulf %unpack3A_435, %unpack3A_438 : vector<16xf32>
      %add3A_441 = arith.addf %add3A_425, %mul3A_440 : vector<16xf32>
      %mul3A_442 = arith.mulf %unpack3A_436, %unpack3A_439 : vector<16xf32>
      %add3A_443 = arith.addf %add3A_441, %mul3A_442 : vector<16xf32>
      %add3A_444 = arith.constant 9 : i32
      %add3A_445 = vector.broadcast %add3A_444 : i32 to vector<16xi32>
      %add3A_446 = arith.addi %mul3A_268, %add3A_445 : vector<16xi32>
      %gather3A_447 = tpu.vector_load_idx %arg12[%add3A_260, %add3A_446] : memref<256x128xi32, #tpu.memory_space<vmem>>[vector<16xi32>, vector<16xi32>], vector<16xi32>,
      %add3A_448 = arith.constant 9 : i32
      %add3A_449 = vector.broadcast %add3A_448 : i32 to vector<16xi32>
      %add3A_450 = arith.addi %mul3A_279, %add3A_449 : vector<16xi32>
      %gather3A_451 = tpu.vector_load_idx %arg13[%add3A_260, %add3A_450] : memref<256x128xi32, #tpu.memory_space<vmem>>[vector<16xi32>, vector<16xi32>], vector<16xi32>,
      %bitcast3A_452 = vector.bitcast %gather3A_447 : vector<16xi32> to vector<32xbf16>
      %unpack3A_453 = tpu.unpack_subelements %bitcast3A_452, 0 {pack_format = #tpu.pack_format<interleaved>} : vector<32xbf16> -> vector<16xf32>
      %unpack3A_454 = tpu.unpack_subelements %bitcast3A_452, 1 {pack_format = #tpu.pack_format<interleaved>} : vector<32xbf16> -> vector<16xf32>
      %bitcast3A_455 = vector.bitcast %gather3A_451 : vector<16xi32> to vector<32xbf16>
      %unpack3A_456 = tpu.unpack_subelements %bitcast3A_455, 0 {pack_format = #tpu.pack_format<interleaved>} : vector<32xbf16> -> vector<16xf32>
      %unpack3A_457 = tpu.unpack_subelements %bitcast3A_455, 1 {pack_format = #tpu.pack_format<interleaved>} : vector<32xbf16> -> vector<16xf32>
      %mul3A_458 = arith.mulf %unpack3A_453, %unpack3A_456 : vector<16xf32>
      %add3A_459 = arith.addf %add3A_443, %mul3A_458 : vector<16xf32>
      %mul3A_460 = arith.mulf %unpack3A_454, %unpack3A_457 : vector<16xf32>
      %add3A_461 = arith.addf %add3A_459, %mul3A_460 : vector<16xf32>
      %add3A_462 = arith.constant 10 : i32
      %add3A_463 = vector.broadcast %add3A_462 : i32 to vector<16xi32>
      %add3A_464 = arith.addi %mul3A_268, %add3A_463 : vector<16xi32>
      %gather3A_465 = tpu.vector_load_idx %arg12[%add3A_260, %add3A_464] : memref<256x128xi32, #tpu.memory_space<vmem>>[vector<16xi32>, vector<16xi32>], vector<16xi32>,
      %add3A_466 = arith.constant 10 : i32
      %add3A_467 = vector.broadcast %add3A_466 : i32 to vector<16xi32>
      %add3A_468 = arith.addi %mul3A_279, %add3A_467 : vector<16xi32>
      %gather3A_469 = tpu.vector_load_idx %arg13[%add3A_260, %add3A_468] : memref<256x128xi32, #tpu.memory_space<vmem>>[vector<16xi32>, vector<16xi32>], vector<16xi32>,
      %bitcast3A_470 = vector.bitcast %gather3A_465 : vector<16xi32> to vector<32xbf16>
      %unpack3A_471 = tpu.unpack_subelements %bitcast3A_470, 0 {pack_format = #tpu.pack_format<interleaved>} : vector<32xbf16> -> vector<16xf32>
      %unpack3A_472 = tpu.unpack_subelements %bitcast3A_470, 1 {pack_format = #tpu.pack_format<interleaved>} : vector<32xbf16> -> vector<16xf32>
      %bitcast3A_473 = vector.bitcast %gather3A_469 : vector<16xi32> to vector<32xbf16>
      %unpack3A_474 = tpu.unpack_subelements %bitcast3A_473, 0 {pack_format = #tpu.pack_format<interleaved>} : vector<32xbf16> -> vector<16xf32>
      %unpack3A_475 = tpu.unpack_subelements %bitcast3A_473, 1 {pack_format = #tpu.pack_format<interleaved>} : vector<32xbf16> -> vector<16xf32>
      %mul3A_476 = arith.mulf %unpack3A_471, %unpack3A_474 : vector<16xf32>
      %add3A_477 = arith.addf %add3A_461, %mul3A_476 : vector<16xf32>
      %mul3A_478 = arith.mulf %unpack3A_472, %unpack3A_475 : vector<16xf32>
      %add3A_479 = arith.addf %add3A_477, %mul3A_478 : vector<16xf32>
      %add3A_480 = arith.constant 11 : i32
      %add3A_481 = vector.broadcast %add3A_480 : i32 to vector<16xi32>
      %add3A_482 = arith.addi %mul3A_268, %add3A_481 : vector<16xi32>
      %gather3A_483 = tpu.vector_load_idx %arg12[%add3A_260, %add3A_482] : memref<256x128xi32, #tpu.memory_space<vmem>>[vector<16xi32>, vector<16xi32>], vector<16xi32>,
      %add3A_484 = arith.constant 11 : i32
      %add3A_485 = vector.broadcast %add3A_484 : i32 to vector<16xi32>
      %add3A_486 = arith.addi %mul3A_279, %add3A_485 : vector<16xi32>
      %gather3A_487 = tpu.vector_load_idx %arg13[%add3A_260, %add3A_486] : memref<256x128xi32, #tpu.memory_space<vmem>>[vector<16xi32>, vector<16xi32>], vector<16xi32>,
      %bitcast3A_488 = vector.bitcast %gather3A_483 : vector<16xi32> to vector<32xbf16>
      %unpack3A_489 = tpu.unpack_subelements %bitcast3A_488, 0 {pack_format = #tpu.pack_format<interleaved>} : vector<32xbf16> -> vector<16xf32>
      %unpack3A_490 = tpu.unpack_subelements %bitcast3A_488, 1 {pack_format = #tpu.pack_format<interleaved>} : vector<32xbf16> -> vector<16xf32>
      %bitcast3A_491 = vector.bitcast %gather3A_487 : vector<16xi32> to vector<32xbf16>
      %unpack3A_492 = tpu.unpack_subelements %bitcast3A_491, 0 {pack_format = #tpu.pack_format<interleaved>} : vector<32xbf16> -> vector<16xf32>
      %unpack3A_493 = tpu.unpack_subelements %bitcast3A_491, 1 {pack_format = #tpu.pack_format<interleaved>} : vector<32xbf16> -> vector<16xf32>
      %mul3A_494 = arith.mulf %unpack3A_489, %unpack3A_492 : vector<16xf32>
      %add3A_495 = arith.addf %add3A_479, %mul3A_494 : vector<16xf32>
      %mul3A_496 = arith.mulf %unpack3A_490, %unpack3A_493 : vector<16xf32>
      %add3A_497 = arith.addf %add3A_495, %mul3A_496 : vector<16xf32>
      %add3A_498 = arith.constant 12 : i32
      %add3A_499 = vector.broadcast %add3A_498 : i32 to vector<16xi32>
      %add3A_500 = arith.addi %mul3A_268, %add3A_499 : vector<16xi32>
      %gather3A_501 = tpu.vector_load_idx %arg12[%add3A_260, %add3A_500] : memref<256x128xi32, #tpu.memory_space<vmem>>[vector<16xi32>, vector<16xi32>], vector<16xi32>,
      %add3A_502 = arith.constant 12 : i32
      %add3A_503 = vector.broadcast %add3A_502 : i32 to vector<16xi32>
      %add3A_504 = arith.addi %mul3A_279, %add3A_503 : vector<16xi32>
      %gather3A_505 = tpu.vector_load_idx %arg13[%add3A_260, %add3A_504] : memref<256x128xi32, #tpu.memory_space<vmem>>[vector<16xi32>, vector<16xi32>], vector<16xi32>,
      %bitcast3A_506 = vector.bitcast %gather3A_501 : vector<16xi32> to vector<32xbf16>
      %unpack3A_507 = tpu.unpack_subelements %bitcast3A_506, 0 {pack_format = #tpu.pack_format<interleaved>} : vector<32xbf16> -> vector<16xf32>
      %unpack3A_508 = tpu.unpack_subelements %bitcast3A_506, 1 {pack_format = #tpu.pack_format<interleaved>} : vector<32xbf16> -> vector<16xf32>
      %bitcast3A_509 = vector.bitcast %gather3A_505 : vector<16xi32> to vector<32xbf16>
      %unpack3A_510 = tpu.unpack_subelements %bitcast3A_509, 0 {pack_format = #tpu.pack_format<interleaved>} : vector<32xbf16> -> vector<16xf32>
      %unpack3A_511 = tpu.unpack_subelements %bitcast3A_509, 1 {pack_format = #tpu.pack_format<interleaved>} : vector<32xbf16> -> vector<16xf32>
      %mul3A_512 = arith.mulf %unpack3A_507, %unpack3A_510 : vector<16xf32>
      %add3A_513 = arith.addf %add3A_497, %mul3A_512 : vector<16xf32>
      %mul3A_514 = arith.mulf %unpack3A_508, %unpack3A_511 : vector<16xf32>
      %add3A_515 = arith.addf %add3A_513, %mul3A_514 : vector<16xf32>
      %add3A_516 = arith.constant 13 : i32
      %add3A_517 = vector.broadcast %add3A_516 : i32 to vector<16xi32>
      %add3A_518 = arith.addi %mul3A_268, %add3A_517 : vector<16xi32>
      %gather3A_519 = tpu.vector_load_idx %arg12[%add3A_260, %add3A_518] : memref<256x128xi32, #tpu.memory_space<vmem>>[vector<16xi32>, vector<16xi32>], vector<16xi32>,
      %add3A_520 = arith.constant 13 : i32
      %add3A_521 = vector.broadcast %add3A_520 : i32 to vector<16xi32>
      %add3A_522 = arith.addi %mul3A_279, %add3A_521 : vector<16xi32>
      %gather3A_523 = tpu.vector_load_idx %arg13[%add3A_260, %add3A_522] : memref<256x128xi32, #tpu.memory_space<vmem>>[vector<16xi32>, vector<16xi32>], vector<16xi32>,
      %bitcast3A_524 = vector.bitcast %gather3A_519 : vector<16xi32> to vector<32xbf16>
      %unpack3A_525 = tpu.unpack_subelements %bitcast3A_524, 0 {pack_format = #tpu.pack_format<interleaved>} : vector<32xbf16> -> vector<16xf32>
      %unpack3A_526 = tpu.unpack_subelements %bitcast3A_524, 1 {pack_format = #tpu.pack_format<interleaved>} : vector<32xbf16> -> vector<16xf32>
      %bitcast3A_527 = vector.bitcast %gather3A_523 : vector<16xi32> to vector<32xbf16>
      %unpack3A_528 = tpu.unpack_subelements %bitcast3A_527, 0 {pack_format = #tpu.pack_format<interleaved>} : vector<32xbf16> -> vector<16xf32>
      %unpack3A_529 = tpu.unpack_subelements %bitcast3A_527, 1 {pack_format = #tpu.pack_format<interleaved>} : vector<32xbf16> -> vector<16xf32>
      %mul3A_530 = arith.mulf %unpack3A_525, %unpack3A_528 : vector<16xf32>
      %add3A_531 = arith.addf %add3A_515, %mul3A_530 : vector<16xf32>
      %mul3A_532 = arith.mulf %unpack3A_526, %unpack3A_529 : vector<16xf32>
      %add3A_533 = arith.addf %add3A_531, %mul3A_532 : vector<16xf32>
      %add3A_534 = arith.constant 14 : i32
      %add3A_535 = vector.broadcast %add3A_534 : i32 to vector<16xi32>
      %add3A_536 = arith.addi %mul3A_268, %add3A_535 : vector<16xi32>
      %gather3A_537 = tpu.vector_load_idx %arg12[%add3A_260, %add3A_536] : memref<256x128xi32, #tpu.memory_space<vmem>>[vector<16xi32>, vector<16xi32>], vector<16xi32>,
      %add3A_538 = arith.constant 14 : i32
      %add3A_539 = vector.broadcast %add3A_538 : i32 to vector<16xi32>
      %add3A_540 = arith.addi %mul3A_279, %add3A_539 : vector<16xi32>
      %gather3A_541 = tpu.vector_load_idx %arg13[%add3A_260, %add3A_540] : memref<256x128xi32, #tpu.memory_space<vmem>>[vector<16xi32>, vector<16xi32>], vector<16xi32>,
      %bitcast3A_542 = vector.bitcast %gather3A_537 : vector<16xi32> to vector<32xbf16>
      %unpack3A_543 = tpu.unpack_subelements %bitcast3A_542, 0 {pack_format = #tpu.pack_format<interleaved>} : vector<32xbf16> -> vector<16xf32>
      %unpack3A_544 = tpu.unpack_subelements %bitcast3A_542, 1 {pack_format = #tpu.pack_format<interleaved>} : vector<32xbf16> -> vector<16xf32>
      %bitcast3A_545 = vector.bitcast %gather3A_541 : vector<16xi32> to vector<32xbf16>
      %unpack3A_546 = tpu.unpack_subelements %bitcast3A_545, 0 {pack_format = #tpu.pack_format<interleaved>} : vector<32xbf16> -> vector<16xf32>
      %unpack3A_547 = tpu.unpack_subelements %bitcast3A_545, 1 {pack_format = #tpu.pack_format<interleaved>} : vector<32xbf16> -> vector<16xf32>
      %mul3A_548 = arith.mulf %unpack3A_543, %unpack3A_546 : vector<16xf32>
      %add3A_549 = arith.addf %add3A_533, %mul3A_548 : vector<16xf32>
      %mul3A_550 = arith.mulf %unpack3A_544, %unpack3A_547 : vector<16xf32>
      %add3A_551 = arith.addf %add3A_549, %mul3A_550 : vector<16xf32>
      %add3A_552 = arith.constant 15 : i32
      %add3A_553 = vector.broadcast %add3A_552 : i32 to vector<16xi32>
      %add3A_554 = arith.addi %mul3A_268, %add3A_553 : vector<16xi32>
      %gather3A_555 = tpu.vector_load_idx %arg12[%add3A_260, %add3A_554] : memref<256x128xi32, #tpu.memory_space<vmem>>[vector<16xi32>, vector<16xi32>], vector<16xi32>,
      %add3A_556 = arith.constant 15 : i32
      %add3A_557 = vector.broadcast %add3A_556 : i32 to vector<16xi32>
      %add3A_558 = arith.addi %mul3A_279, %add3A_557 : vector<16xi32>
      %gather3A_559 = tpu.vector_load_idx %arg13[%add3A_260, %add3A_558] : memref<256x128xi32, #tpu.memory_space<vmem>>[vector<16xi32>, vector<16xi32>], vector<16xi32>,
      %bitcast3A_560 = vector.bitcast %gather3A_555 : vector<16xi32> to vector<32xbf16>
      %unpack3A_561 = tpu.unpack_subelements %bitcast3A_560, 0 {pack_format = #tpu.pack_format<interleaved>} : vector<32xbf16> -> vector<16xf32>
      %unpack3A_562 = tpu.unpack_subelements %bitcast3A_560, 1 {pack_format = #tpu.pack_format<interleaved>} : vector<32xbf16> -> vector<16xf32>
      %bitcast3A_563 = vector.bitcast %gather3A_559 : vector<16xi32> to vector<32xbf16>
      %unpack3A_564 = tpu.unpack_subelements %bitcast3A_563, 0 {pack_format = #tpu.pack_format<interleaved>} : vector<32xbf16> -> vector<16xf32>
      %unpack3A_565 = tpu.unpack_subelements %bitcast3A_563, 1 {pack_format = #tpu.pack_format<interleaved>} : vector<32xbf16> -> vector<16xf32>
      %mul3A_566 = arith.mulf %unpack3A_561, %unpack3A_564 : vector<16xf32>
      %add3A_567 = arith.addf %add3A_551, %mul3A_566 : vector<16xf32>
      %mul3A_568 = arith.mulf %unpack3A_562, %unpack3A_565 : vector<16xf32>
      %add3A_569 = arith.addf %add3A_567, %mul3A_568 : vector<16xf32>
      %swap3A = arith.index_cast %add3A_256 : i32 to index
      %swap3A_570 = tpu.vector_load %arg16[%swap3A] {strides = array<i32>} : memref<512xf32, #tpu.memory_space<vmem>>, vector<16xf32>,
      tpu.vector_store %arg16[%swap3A], %add3A_569 {strides = array<i32>} : memref<512xf32, #tpu.memory_space<vmem>>, vector<16xf32>,
      %scan3A_571 = arith.constant 0 : i32
      scf.yield %scan3A_571 : i32
    }
    %scan3A_250 = arith.constant 16 : i32
    "tpu.region"() ({
      %run_scoped3A = tpu.sem_alloc : memref<!tpu.dma_semaphore, #tpu.memory_space<semaphore_mem>>
      %dma_start3A_251 = tpu.memref_slice %arg7[%mul3A_2] : memref<16384xf32, #tpu.memory_space<hbm>> -> memref<512xf32, #tpu.memory_space<hbm>>
      %dma_start3A_252 = tpu.memref_slice %arg7[%mul3A_2] : memref<16384xf32, #tpu.memory_space<hbm>> -> memref<512xf32, #tpu.memory_space<hbm>>
      tpu.enqueue_dma source(%arg16 : memref<512xf32, #tpu.memory_space<vmem>>) target(%dma_start3A_252 : memref<512xf32, #tpu.memory_space<hbm>>) target_semaphore(%run_scoped3A : memref<!tpu.dma_semaphore, #tpu.memory_space<semaphore_mem>>)
      %dma_wait3A_253 = tpu.memref_slice %arg7[%mul3A_2] : memref<16384xf32, #tpu.memory_space<hbm>> -> memref<512xf32, #tpu.memory_space<hbm>>
      %dma_wait3A_254 = tpu.memref_slice %arg7[%mul3A_2] : memref<16384xf32, #tpu.memory_space<hbm>> -> memref<512xf32, #tpu.memory_space<hbm>>
      tpu.wait_dma2 semaphore(%run_scoped3A : memref<!tpu.dma_semaphore, #tpu.memory_space<semaphore_mem>>) src(%arg16 : memref<512xf32, #tpu.memory_space<vmem>>) dst(%dma_wait3A_254 : memref<512xf32, #tpu.memory_space<hbm>>)
      tpu.yield
    }) : () -> ()
    return
  }
}

</mosaic_0001>

<sc_bundles>
// kernel: _mf_call.3.cloned.1.call-start
scs
__scs_entry_jumppad:
0x0: {  	(pc) =	sbr.rel $0x88, $3  }
0x1: {  	(tag) =	ssettag $0x0;
	lr =	simm.s32 $0x1  }
0x2: {  	[smem:$0x3F9C] =	sst lr;
	_ =	strace $0xD0000000  }
0x3: {  	_ = 	snop  }
0x4: {  	_ = 	snop  }
0x5: {  	_ = 	snop  }
0x6: {  	_ = 	snop  }
0x7: {  	_ = 	snop  }
__scs_overlays_trampoline_lowered:
0x8: {  	[smem:$0x3FAB] =	sst s0  }
0x9: {  	[smem:$0x3FAC] =	sst s1  }
0xa: {  	[smem:$0x3FAD] =	sst s2  }
0xb: {  	[smem:$0x3FAE] =	sst s3  }
0xc: {  	[smem:$0x3FAF] =	sst s4  }
0xd: {  	[smem:$0x3FB0] =	sst s5  }
0xe: {  	[smem:$0x3FB1] =	sst s6  }
0xf: {  	[smem:$0x3FB2] =	sst s7  }
0x10: {  	[smem:$0x3FB3] =	sst s8  }
0x11: {  	[smem:$0x3FB4] =	sst s9;
	s0 =	simm.s32 @!p0 $0x0  }
0x12: {  	s1 =	sld [smem:$0x3F9A];
	s0 =	simm.s32 @p0 $0x1  }
0x13: {  	[smem:$0x3FB5] =	sst s0;
	s0 =	simm.s32 @!p1 $0x0  }
0x14: {  	s2 =	sld [smem:$0x3F99];
	s0 =	simm.s32 @p1 $0x1  }
0x15: {  	[smem:$0x3FB6] =	sst s0;
	s0 =	simm.s32 @!p2 $0x0  }
0x16: {  	s3 =	sld [smem:$0x3FDB];
	s0 =	simm.s32 @p2 $0x1  }
0x17: {  	s4 =	simm.s32 $0x1BF5;
	[smem:$0x3FB8] =	sst s0  }
0x18: {  	s0 =	sld [smem:$0x3F9B];
	_ =	swait.ge [sflag:s4], $0x0  }
0x19: {  	s7 =	sld [smem:$0x3F9C]  }
0x1a: {  	s8 =	sadd.s32 $0xFFFFE003, lr  }
0x1b: {  	s9 =	sadd.s32 $0xFFFFFEF7, lr;
	s5 =	simm.s32 $0xFFFFFFFF;
	p2 =	slt.u32 s8, $0xFFFFF086  }
0x1c: {  	p1 =	slt.u32 s9, $0xF7A;
	s5 =	simm.s32 @!p2 $0x0  }
0x1d: {  	s5 =	simm.s32 @p1 $0x1;
	p0 =	seq.s32 s7, s2  }
0x1e: {  	s7 =	smul.u32 @!p0 $0xF7A, s2;
	p2 =	seq.s32 @!p0 s5, $0x0  }
0x1f: {  	s9 =	smul.u32 $0xF7A, s1;
	s8 =	simm.s32 @!p0 $0x1BF5;
	p2 =	por !p2, p0  }
0x20: {  	[sflag:s8] =	ssyncset.s32 @!p0 $0xFFFFF086;
	s6 =	sadd.s32 @!p0 s3, s7;
	s7 =	simm.s32 @!p0 $0x108  }
0x21: {  	s3 =	sadd.s32 s3, s9;
	s6 =	sadd.s32 @!p0 $0x88, s6;
	s7 =	simm.s32 @p2 $0x1082  }
0x22: {  	[simem:s7], [sflag:s8] =	dma.local @!p0 [hbm:s6], $0xF7A  }
0x23: {  	s9 =	sor.u32 $0xD0000000, s2;
	s6 =	simm.s32 $0x108;
	_ =	swait.ge @!p0 [sflag:s8], $0x0  }
0x24: {  	s3 =	sadd.s32 $0x88, s3;
	s6 =	simm.s32 @!p1 $0x1082;
	[sflag:s4] =	ssyncset.s32 $0xFFFFF086  }
0x25: {  	[simem:s6], [sflag:s4] =	dma.local [hbm:s3], $0xF7A  }
0x26: {  	[smem:$0x3F9C] =	sst s1;
	(tag) =	ssettag s2;
	_ =	strace s9  }
0x27: {  	s1 =	sld [smem:$0x3FAC]  }
0x28: {  	s2 =	sld [smem:$0x3FAD]  }
0x29: {  	s4 =	sld [smem:$0x3FAF]  }
0x2a: {  	p0 =	seq.s32 s5, $0x0;
	s5 =	sld [smem:$0x3FB0]  }
0x2b: {  	s6 =	sld [smem:$0x3FB1]  }
0x2c: {  	s7 =	sld [smem:$0x3FB2]  }
0x2d: {  	s3 =	simm.s32 $0x108;
	s8 =	sld [smem:$0x3FB3]  }
0x2e: {  	s3 =	simm.s32 @!p0 $0x1082;
	s9 =	sld [smem:$0x3FB4]  }
0x2f: {  	lr =	sadd.s32 s0, s3;
	s0 =	sld [smem:$0x3FAB]  }
0x30: {  	s3 =	sld [smem:$0x3FAE]  }
0x31: {  	[smem:$0x3FB7] =	sst s10  }
0x32: {  	s10 =	sld [smem:$0x3FB5];
	_ =	sdelay $0x3  }
0x33: {  	p0 =	seq.s32 s10, $0x1;
	s10 =	sld [smem:$0x3FB7];
	_ =	sdelay $0x3  }
0x34: {  	[smem:$0x3FB7] =	sst s10  }
0x35: {  	s10 =	sld [smem:$0x3FB6];
	_ =	sdelay $0x3  }
0x36: {  	p1 =	seq.s32 s10, $0x1;
	s10 =	sld [smem:$0x3FB7];
	_ =	sdelay $0x3  }
0x37: {  	[smem:$0x3FB7] =	sst s10  }
0x38: {  	s10 =	sld [smem:$0x3FB8]  }
0x39: {  	_ = 	snop;
	(pc) =	sbr.ind lr, $3  }
0x3a: {  	_ = 	snop  }
0x3b: {  	_ = 	snop  }
0x3c: {  	p2 =	seq.s32 s10, $0x1;
	s10 =	sld [smem:$0x3FB7]  }
0x3d: {  	_ =	shalt  }
0x3e: {  	_ =	shalt  }
0x3f: {  	_ =	shalt  }
0x40: {  	_ =	shalt  }
0x41: {  	_ =	shalt  }
0x42: {  	_ =	shalt  }
0x43: {  	_ =	shalt  }
0x44: {  	_ =	shalt  }
0x45: {  	_ =	shalt  }
0x46: {  	_ =	shalt  }
0x47: {  	_ =	shalt  }
0x48: {  	_ =	shalt  }
0x49: {  	_ =	shalt  }
0x4a: {  	_ =	shalt  }
0x4b: {  	_ =	shalt  }
0x4c: {  	_ =	shalt  }
0x4d: {  	_ =	shalt  }
0x4e: {  	_ =	shalt  }
0x4f: {  	_ =	shalt  }
0x50: {  	_ =	shalt  }
0x51: {  	_ =	shalt  }
0x52: {  	_ =	shalt  }
0x53: {  	_ =	shalt  }
0x54: {  	_ =	shalt  }
0x55: {  	_ =	shalt  }
0x56: {  	_ =	shalt  }
0x57: {  	_ =	shalt  }
0x58: {  	_ =	shalt  }
0x59: {  	_ =	shalt  }
0x5a: {  	_ =	shalt  }
0x5b: {  	_ =	shalt  }
0x5c: {  	_ =	shalt  }
0x5d: {  	_ =	shalt  }
0x5e: {  	_ =	shalt  }
0x5f: {  	_ =	shalt  }
0x60: {  	_ =	shalt  }
0x61: {  	_ =	shalt  }
0x62: {  	_ =	shalt  }
0x63: {  	_ =	shalt  }
0x64: {  	_ =	shalt  }
0x65: {  	_ =	shalt  }
0x66: {  	_ =	shalt  }
0x67: {  	_ =	shalt  }
0x68: {  	_ =	shalt  }
0x69: {  	_ =	shalt  }
0x6a: {  	_ =	shalt  }
0x6b: {  	_ =	shalt  }
0x6c: {  	_ =	shalt  }
0x6d: {  	_ =	shalt  }
0x6e: {  	_ =	shalt  }
0x6f: {  	_ =	shalt  }
0x70: {  	_ =	shalt  }
0x71: {  	_ =	shalt  }
0x72: {  	_ =	shalt  }
0x73: {  	_ =	shalt  }
0x74: {  	_ =	shalt  }
0x75: {  	_ =	shalt  }
0x76: {  	_ =	shalt  }
0x77: {  	_ =	shalt  }
0x78: {  	_ =	shalt  }
0x79: {  	_ =	shalt  }
0x7a: {  	_ =	shalt  }
0x7b: {  	_ =	shalt  }
0x7c: {  	_ =	shalt  }
0x7d: {  	_ =	shalt  }
0x7e: {  	_ =	shalt  }
0x7f: {  	_ =	shalt  }
0x80: {  	_ =	shalt  }
0x81: {  	_ =	shalt  }
0x82: {  	_ =	shalt  }
0x83: {  	_ =	shalt  }
0x84: {  	_ =	shalt  }
0x85: {  	_ =	shalt  }
0x86: {  	_ =	shalt  }
0x87: {  	_ =	shalt  }
.Lfunc_end0:
.L_simem_size_0:
called_computation_lowered:
.L_overlay_start_0:
0x88: {  	s2 =	sld [smem:$0x3FD9]  }
0x89: {  	s3 =	sld [smem:$0x3FFE];
	_ =	sdelay $0x1  }
0x8a: {  	s1 =	srdreg.scid  }
0x8b: {  	s0 =	sand.u32 $0x1, s1  }
0x8c: {  	s18 =	sshll.u32 s0, $0xA;
	s2 =	sadd.s32 s3, s2  }
0x8d: {  	s2 =	sadd.s32 s2, s18  }
0x8e: {  	[smem:$0x3FC3] =	sst s2  }
0x8f: {  	_ = 	snop  }
0x90: {  	s2 =	sld [smem:$0x3FC9]  }
0x91: {  	s19 =	sld [smem:$0x3FC8]  }
0x92: {  	s4 =	sld [smem:$0x3FC7]  }
0x93: {  	s5 =	sld [smem:$0x3FC6]  }
0x94: {  	s6 =	sld [smem:$0x3FC5]  }
0x95: {  	s7 =	sld [smem:$0x3FD0];
	(tm) =	ssettm $0x1  }
0x96: {  	s8 =	sld [smem:$0x3FFB];
	_ =	sdelay $0x3  }
0x97: {  	_ =	strace s8  }
0x98: {  	s8 =	sld [smem:$0x3FFC];
	_ =	sdelay $0x3  }
0x99: {  	_ =	strace s8  }
0x9a: {  	s8 =	sld [smem:$0x3FFD];
	_ =	sdelay $0x3  }
0x9b: {  	_ =	strace s8  }
0x9c: {  	_ =	strace $0x8FFFFFFF  }
0x9d: {  	s20 =	sld [smem:$0x3FDB];
	_ =	sdelay $0x1  }
0x9e: {  	s9 =	simm.s32 $_scs_section_size  }
0x9f: {  	s10 =	simm.s32 $_size__tile_overlayer_lowered;
	s11 =	simm.s32 $_tile_overlayer_lowered  }
0xa0: {  	s23 =	simm.s32 $0x1BFF;
	s22 =	sshll.u32 s11, $0x1;
	s8 =	sadd.s32 s9, s20  }
0xa1: {  	s12 =	simm.s32 $0x0;
	s21 =	sshll.u32 s10, $0x1;
	s10 =	sadd.s32 s22, s8  }
0xa2: {  	[timem:s12], [sflag:s23] =	dma.local [hbm:s10], s21  }
0xa3: {  	_ =	swait.ge [sflag:s23], s21  }
0xa4: {  	s9 =	ssub.s32 $0x0, s21;
	[sflag:s23] =	ssyncset.done $0x0  }
0xa5: {  	[sflag:s23] =	ssyncadd.s32 s9;
	_ =	sdelay $0x1  }
0xa6: {  	s24 =	simm.s32 $0x1B8B  }
0xa7: {  	_ =	swait.ge [sflag:s24], $0x1  }
0xa8: {  	[sflag:s24] =	ssyncset.done $0x0  }
0xa9: {  	s25 =	simm.s32 $0x1B8E;
	[sflag:s24] =	ssyncadd.s32 $0xFFFFFFFF  }
0xaa: {  	s26 =	simm.s32 $execute0_lowered;
	[smem:$0x3FD2] =	sst s25  }
0xab: {  	s9 =	sshll.u32 s26, $0x1;
	_ =	strace $0x80000046;
	[dreg:$0x1] =	wrdreg $0xFFFFFFFF  }
0xac: {  	s28 =	simm.s32 $_size_execute0_lowered;
	s8 =	sadd.s32 s8, s9;
	[dreg:$0x0] =	wrdreg $0x0  }
0xad: {  	s9 =	sshll.u32 s28, $0x1;
	[dreg:$0x2] =	wrdreg s8  }
0xae: {  	[dreg:$0x3] =	wrdreg s9  }
0xaf: {  	[dreg:$0x4] =	wrdreg $0xC0  }
0xb0: {  	_ =	task [dreg:s12], $0x5FFFF  }
0xb1: {  	[dreg:$0x1] =	wrdreg $0xFFFFFFFF  }
0xb2: {  	[dreg:$0x0] =	wrdreg $0x60  }
0xb3: {  	[dreg:$0x2] =	wrdreg s2  }
0xb4: {  	[dreg:$0x3] =	wrdreg s19  }
0xb5: {  	[dreg:$0x4] =	wrdreg s4  }
0xb6: {  	[dreg:$0x5] =	wrdreg s5  }
0xb7: {  	[dreg:$0x6] =	wrdreg s6  }
0xb8: {  	[dreg:$0x7] =	wrdreg s7  }
0xb9: {  	[dreg:$0x8] =	wrdreg $0x9  }
0xba: {  	_ =	task.clear_ibuf [dreg:s12], $0x9FFFF;
	_ =	strace $0x90000046  }
0xbb: {  	s29 =	simm.s32 $0x9;
	_ =	strace $0x80000048  }
0xbc: {  	_ =	swait.ge [sflag:s29], $0x1  }
0xbd: {  	[sflag:s29] =	ssyncadd.s32 $0xFFFFFFFF  }
0xbe: {  	_ =	strace $0x90000048  }
0xbf: {  	_ =	sfence  }
0xc0: {  	s30 =	sld [smem:$0x0];
	_ =	sdelay $0x2  }
0xc1: {  	s31 =	sshll.u32 s1, $0xD;
	s1 =	sshrl.u32 s1, $0x2  }
0xc2: {  	s3 =	sand.u32 $0x4000, s31;
	s1 =	sadd.s32 s1, s30  }
0xc3: {  	s0 =	sor.u32 s3, s0;
	s1 =	sshll.u32 s1, $0x11  }
0xc4: {  	s0 =	sor.u32 s1, s0  }
0xc5: {  	s0 =	sadd.s32 $0x8F2B, s0  }
0xc6: {  	[sflag:s0] =	ssyncadd.remote.s32 $0x1  }
0xc7: {  	_ =	sfence.sel $0xFFFF  }
0xc8: {  	[dreg:$0x0] =	wrdreg $0xFFFFFFFF;
	(pc) =	sbr.abs _section_cstart, $3  }
0xc9: {  	[dreg:$0x1] =	wrdreg $0xFFFFFFFF  }
0xca: {  	_ =	task.clear_ibuf [dreg:s12], $0x2FFFF;
	_ =	strace $0x9FFFFFFF  }
0xcb: {  	(tm) =	ssettm $0x7FFFFFFF  }
tec
execute0_lowered:
.L_overlay_start_1:
0x0: {  	(tag) =	ssettag $0x1  }
0x1: {  	s0 =	rddreg [dreg:$0x0]  }
0x2: {  	s1 =	rddreg [dreg:$0x1]  }
0x3: {  	s2 =	rddreg [dreg:$0x2]  }
0x4: {  	s3 =	rddreg [dreg:$0x3]  }
0x5: {  	s5 =	rddreg [dreg:$0x4]  }
0x6: {  	s4 =	rddreg [dreg:$0x5]  }
0x7: {  	s7 =	srdreg.scid;
	s8 =	stileid.u32  }
0x8: {  	s6 =	simm.s32 $0x0;
	s13 =	simm.s32 $0x80;
	s26 =	simm.s32 $0x800  }
0x9: {  	s29 =	simm.s32 $0x8800;
	s31 =	simm.s32 $0x4800;
	s12 =	simm.s32 $0x2  }
0xa: {  	s14 =	simm.s32 $0x1;
	s15 =	simm.s32 $0x500;
	s16 =	simm.s32 $0x700  }
0xb: {  	s17 =	simm.s32 $0x580;
	s18 =	simm.s32 $0x780;
	s19 =	simm.s32 $0x10C00  }
0xc: {  	s20 =	simm.s32 $0x0;
	s7 =	sand.u32 $0x1, s7;
	s8 =	sshll.u32 s8, $0x1  }
0xd: {  	[smem:$0x7FF] =	sst s6;
	s9 =	ssub.s32 $0x2, s7;
	s8 =	sor.u32 s7, s8  }
0xe: {  	_ =	strace $0x80000047;
	s28 =	sshrl.u32 s9, $0x1;
	s10 =	sshll.u32 s8, $0x7  }
0xf: {  	s30 =	sshll.u32 s8, $0x6;
	s11 =	ssub.s32 s9, s28;
	s7 =	sadd.s32 s0, s10  }
0x10: {  	v0 =	vlaneseq.u32;
	s9 =	sadd.s32 s4, s30;
	s0 =	simm.s32 $0x680;
	s4 =	simm.s32 $0xC800  }
0x11: {  	v0 =	vmul.u32 $0x80, v0;
	s8 =	sadd.s32 $0x40, s7;
	s10 =	smax.u32 s11, $0x1;
	s11 =	simm.s32 $0x3  }
.LBB2_1:
0x12: {  	[tilespmem:s6], [sflag:$0x3] =	stream.linear.gather [hbm4b:s7+s6], $0x200, $0x38;
	[tilespmem:$0x10E00] =	vst v63  }
0x13: {  	_ =	swait.ge [sflag:s11], $0x200  }
0x14: {  	[sflag:s11] =	ssyncset.done $0x0  }
0x15: {  	s21 =	simm.s32 $0x200;
	[sflag:s11] =	ssyncadd.s32 $0xFFFFFE00  }
0x16: {  	[tilespmem:s21], [sflag:$0x3] =	stream.linear.gather [hbm4b:s8+s6], $0x200, $0x38;
	[tilespmem:$0x10E00] =	vst v63  }
0x17: {  	_ =	swait.ge [sflag:s11], $0x200  }
0x18: {  	[sflag:s11] =	ssyncset.done $0x0  }
0x19: {  	s21 =	simm.s32 $0x0;
	[sflag:s11] =	ssyncadd.s32 $0xFFFFFE00  }
0x1a: {  	v1 =	vld [tilespmem:s21+$0x200]  }
0x1b: {  	v2 =	vld [tilespmem:s21+$0x0];
	_ =	sdelay $0x1  }
0x1c: {  	s22 =	simm.s32 $0x40  }
.LBB2_2:
0x1d: {  	p0 =	sne.s32 s22, $0x7C0  }
.Ltmp0:
0x1e: {  	s23 =	sshra.s32 s22, $0x2;
	s22 =	sadd.s32 $0x40, s22;
	v3 =	vshrl.u32 v1, $0x3;
	(pc) =	sbr.rel @p0 .LBB2_2-.Ltmp0, $4  }
0x1f: {  	v5 =	vand.u32 $0x1FFF, v1;
	v4 =	vshrl.u32 v2, $0x3;
	v3 =	vand.u32 $0x1FFFE000, v3;
	v1 =	vld [tilespmem:s23+$0x200]  }
0x20: {  	v6 =	vand.u32 $0x1FFF, v2;
	v4 =	vand.u32 $0x1FFFE000, v4;
	v2 =	vld [tilespmem:s23+$0x0];
	v3 =	vor.u32 v5, v3  }
0x21: {  	v4 =	vor.u32 v6, v4;
	[tilespmem:s21+$0x600] =	vst v3  }
0x22: {  	[tilespmem:s21+$0x400] =	vst v4;
	s21 =	smov.u32 s23  }
0x23: {  	_ = 	snop  }
0x24: {  	v3 =	vshrl.u32 v1, $0x3  }
0x25: {  	v1 =	vand.u32 $0x1FFF, v1;
	v4 =	vshrl.u32 v2, $0x3;
	v3 =	vand.u32 $0x1FFFE000, v3  }
0x26: {  	v2 =	vand.u32 $0x1FFF, v2;
	v4 =	vand.u32 $0x1FFFE000, v4;
	v1 =	vor.u32 v1, v3  }
0x27: {  	v2 =	vor.u32 v2, v4;
	[tilespmem:s21+$0x600] =	vst v1  }
0x28: {  	s23 =	simm.s32 $0x0;
	[tilespmem:s21+$0x400] =	vst v2;
	s21 =	simm.s32 $0x10800  }
0x29: {  	[tilespmem:s21], [sflag:$0x1] =	stream.indirect.gather [hbm4b:s3+s13], $0x1, s23, s13, $0xb8;
	[tilespmem:$0x10E00] =	vst v63  }
0x2a: {  	s24 =	simm.s32 $0x200;
	s22 =	simm.s32 $0x10A00  }
0x2b: {  	[tilespmem:s22], [sflag:$0x1] =	stream.indirect.gather [hbm4b:s5+s13], $0x1, s24, s13, $0xb8;
	[tilespmem:$0x10E00] =	vst v63  }
0x2c: {  	s25 =	simm.s32 $0x10880  }
0x2d: {  	[tilespmem:s25], [sflag:$0x1] =	stream.indirect.gather [hbm4b:s3+s13], $0x1, s13, s13, $0xb8;
	[tilespmem:$0x10E00] =	vst v63  }
0x2e: {  	s28 =	simm.s32 $0x10A80;
	s25 =	simm.s32 $0x280  }
0x2f: {  	[tilespmem:s28], [sflag:$0x1] =	stream.indirect.gather [hbm4b:s5+s13], $0x1, s25, s13, $0xb8;
	[tilespmem:$0x10E00] =	vst v63  }
0x30: {  	s25 =	simm.s32 $0x100;
	s28 =	simm.s32 $0x10900  }
0x31: {  	[tilespmem:s28], [sflag:$0x1] =	stream.indirect.gather [hbm4b:s3+s13], $0x1, s25, s13, $0xb8;
	[tilespmem:$0x10E00] =	vst v63  }
0x32: {  	s25 =	simm.s32 $0x300;
	s28 =	simm.s32 $0x10B00  }
0x33: {  	[tilespmem:s28], [sflag:$0x1] =	stream.indirect.gather [hbm4b:s5+s13], $0x1, s25, s13, $0xb8;
	[tilespmem:$0x10E00] =	vst v63  }
0x34: {  	s25 =	simm.s32 $0x180;
	s28 =	simm.s32 $0x10980  }
0x35: {  	[tilespmem:s28], [sflag:$0x1] =	stream.indirect.gather [hbm4b:s3+s13], $0x1, s25, s13, $0xb8;
	[tilespmem:$0x10E00] =	vst v63  }
0x36: {  	s25 =	simm.s32 $0x380;
	s28 =	simm.s32 $0x10B80  }
0x37: {  	[tilespmem:s28], [sflag:$0x1] =	stream.indirect.gather [hbm4b:s5+s13], $0x1, s25, s13, $0xb8;
	[tilespmem:$0x10E00] =	vst v63  }
0x38: {  	s25 =	simm.s32 $0x400  }
0x39: {  	[tilespmem:s26], [sflag:$0x2] =	stream.indirect.gather [hbm4b:s1+s13], $0x80, s25, s13, $0xb8;
	[tilespmem:$0x10E00] =	vst v63  }
0x3a: {  	s25 =	simm.s32 $0x600  }
0x3b: {  	[tilespmem:s29], [sflag:$0x2] =	stream.indirect.gather [hbm4b:s2+s13], $0x80, s25, s13, $0xb8;
	[tilespmem:$0x10E00] =	vst v63  }
0x3c: {  	s25 =	simm.s32 $0x480  }
0x3d: {  	[tilespmem:s31], [sflag:$0x2] =	stream.indirect.gather [hbm4b:s1+s13], $0x80, s25, s13, $0xb8;
	[tilespmem:$0x10E00] =	vst v63  }
0x3e: {  	_ = 	snop  }
0x3f: {  	[tilespmem:s4], [sflag:$0x2] =	stream.indirect.gather [hbm4b:s2+s13], $0x80, s0, s13, $0xb8;
	[tilespmem:$0x10E00] =	vst v63  }
0x40: {  	_ =	swait.ge [sflag:s12], $0x4000  }
0x41: {  	[sflag:s12] =	ssyncset.done $0x0  }
0x42: {  	[sflag:s12] =	ssyncadd.s32 $0xFFFFC000  }
0x43: {  	_ =	swait.ge [sflag:s12], $0x4000  }
0x44: {  	[sflag:s12] =	ssyncset.done $0x0  }
0x45: {  	[sflag:s12] =	ssyncadd.s32 $0xFFFFC000  }
0x46: {  	_ =	swait.ge [sflag:s12], $0x4000  }
0x47: {  	[sflag:s12] =	ssyncset.done $0x0  }
0x48: {  	[sflag:s12] =	ssyncadd.s32 $0xFFFFC000  }
0x49: {  	_ =	swait.ge [sflag:s12], $0x4000  }
0x4a: {  	[sflag:s12] =	ssyncset.done $0x0  }
0x4b: {  	[sflag:s12] =	ssyncadd.s32 $0xFFFFC000  }
0x4c: {  	_ =	swait.ge [sflag:s14], $0x80  }
0x4d: {  	[sflag:s14] =	ssyncset.done $0x0  }
0x4e: {  	[sflag:s14] =	ssyncadd.s32 $0xFFFFFF80  }
0x4f: {  	_ =	swait.ge [sflag:s14], $0x80  }
0x50: {  	[sflag:s14] =	ssyncset.done $0x0  }
0x51: {  	[sflag:s14] =	ssyncadd.s32 $0xFFFFFF80  }
0x52: {  	_ =	swait.ge [sflag:s14], $0x80  }
0x53: {  	[sflag:s14] =	ssyncset.done $0x0  }
0x54: {  	[sflag:s14] =	ssyncadd.s32 $0xFFFFFF80  }
0x55: {  	_ =	swait.ge [sflag:s14], $0x80  }
0x56: {  	[sflag:s14] =	ssyncset.done $0x0  }
0x57: {  	[sflag:s14] =	ssyncadd.s32 $0xFFFFFF80  }
0x58: {  	_ =	swait.ge [sflag:s14], $0x80  }
0x59: {  	[sflag:s14] =	ssyncset.done $0x0  }
0x5a: {  	[sflag:s14] =	ssyncadd.s32 $0xFFFFFF80  }
0x5b: {  	_ =	swait.ge [sflag:s14], $0x80  }
0x5c: {  	[sflag:s14] =	ssyncset.done $0x0  }
0x5d: {  	[sflag:s14] =	ssyncadd.s32 $0xFFFFFF80  }
0x5e: {  	_ =	swait.ge [sflag:s14], $0x80  }
0x5f: {  	[sflag:s14] =	ssyncset.done $0x0  }
0x60: {  	[sflag:s14] =	ssyncadd.s32 $0xFFFFFF80  }
0x61: {  	_ =	swait.ge [sflag:s14], $0x80  }
0x62: {  	[sflag:s14] =	ssyncset.done $0x0  }
0x63: {  	[sflag:s14] =	ssyncadd.s32 $0xFFFFFF80  }
0x64: {  	v1 =	vld [tilespmem:s23+$0x0]  }
0x65: {  	v2 =	vld [tilespmem:s24+$0x0];
	_ =	sdelay $0x2  }
0x66: {  	v3 =	vmov s23  }
0x67: {  	v3 =	vshll.u32 v3, $0x7;
	v1 =	vshrl.u32 v1, $0x9  }
0x68: {  	v3 =	vor.u32 v0, v3;
	v2 =	vshrl.u32 v2, $0x9;
	v1 =	vand.u32 $0x70, v1  }
0x69: {  	v62 =	vand.u32 $0x70, v2;
	v2 =	vor.u32 v3, v1  }
0x6a: {  	v1 =	vor.u32 v3, v62;
	_ =	sdelay $0x2  }
0x6b: {  	v7 =	vld [tilespmem:s21+$0x0];
	v3 =	vor.u32 $0x1, v2  }
0x6c: {  	v5 =	vor.u32 $0x1, v1;
	v63 =	vld.idx.msk [tilespmem:v2+s26+$0x0], $0xffff  }
0x6d: {  	v6 =	vld.idx.msk [tilespmem:v1+s29+$0x0], $0xffff  }
0x6e: {  	v8 =	vld [tilespmem:s22+$0x0]  }
0x6f: {  	v9 =	vor.u32 $0x2, v2  }
0x70: {  	v10 =	vor.u32 $0x2, v1;
	v3 =	vld.idx.msk [tilespmem:v3+s26+$0x0], $0xffff  }
0x71: {  	v5 =	vld.idx.msk [tilespmem:v5+s29+$0x0], $0xffff  }
0x72: {  	v11 =	vunpack.i.l.bf16.f32 v63;
	v12 =	vunpack.i.l.bf16.f32 v6  }
0x73: {  	v7 =	vadd.f32 v8, v7;
	v13 =	vor.u32 $0x3, v2;
	v16 =	vmul.f32 v12, v11  }
0x74: {  	v17 =	vor.u32 $0x3, v1;
	v9 =	vld.idx.msk [tilespmem:v9+s26+$0x0], $0xffff;
	v4 =	vunpack.i.u.bf16.f32 v63;
	v6 =	vunpack.i.u.bf16.f32 v6  }
0x75: {  	v10 =	vld.idx.msk [tilespmem:v10+s29+$0x0], $0xffff;
	v4 =	vmul.f32 v6, v4;
	v7 =	vadd.f32 v16, v7  }
0x76: {  	v18 =	vunpack.i.l.bf16.f32 v3;
	v19 =	vunpack.i.l.bf16.f32 v5  }
0x77: {  	v20 =	vor.u32 $0x4, v2;
	v6 =	vmul.f32 v19, v18;
	v4 =	vadd.f32 v7, v4  }
0x78: {  	v22 =	vor.u32 $0x4, v1;
	v21 =	vld.idx.msk [tilespmem:v13+s26+$0x0], $0xffff;
	v3 =	vunpack.i.u.bf16.f32 v3;
	v5 =	vunpack.i.u.bf16.f32 v5  }
0x79: {  	v11 =	vld.idx.msk [tilespmem:v17+s29+$0x0], $0xffff;
	v3 =	vmul.f32 v5, v3;
	v4 =	vadd.f32 v6, v4  }
0x7a: {  	v23 =	vunpack.i.l.bf16.f32 v9;
	v24 =	vunpack.i.l.bf16.f32 v10  }
0x7b: {  	v25 =	vor.u32 $0x5, v2;
	v26 =	vmul.f32 v24, v23;
	v3 =	vadd.f32 v4, v3  }
0x7c: {  	v28 =	vor.u32 $0x5, v1;
	v27 =	vld.idx.msk [tilespmem:v20+s26+$0x0], $0xffff;
	v9 =	vunpack.i.u.bf16.f32 v9;
	v10 =	vunpack.i.u.bf16.f32 v10  }
0x7d: {  	v8 =	vld.idx.msk [tilespmem:v22+s29+$0x0], $0xffff;
	v29 =	vmul.f32 v10, v9;
	v3 =	vadd.f32 v26, v3  }
0x7e: {  	v30 =	vunpack.i.l.bf16.f32 v21;
	v31 =	vunpack.i.l.bf16.f32 v11  }
0x7f: {  	v32 =	vor.u32 $0x6, v2;
	v33 =	vmul.f32 v31, v30;
	v3 =	vadd.f32 v3, v29  }
0x80: {  	v35 =	vor.u32 $0x6, v1;
	v34 =	vld.idx.msk [tilespmem:v25+s26+$0x0], $0xffff;
	v7 =	vunpack.i.u.bf16.f32 v21;
	v11 =	vunpack.i.u.bf16.f32 v11  }
0x81: {  	v6 =	vld.idx.msk [tilespmem:v28+s29+$0x0], $0xffff;
	v36 =	vmul.f32 v11, v7;
	v3 =	vadd.f32 v33, v3  }
0x82: {  	v37 =	vunpack.i.l.bf16.f32 v27;
	v38 =	vunpack.i.l.bf16.f32 v8  }
0x83: {  	v39 =	vor.u32 $0x7, v2;
	v40 =	vmul.f32 v38, v37;
	v3 =	vadd.f32 v3, v36  }
0x84: {  	v42 =	vor.u32 $0x7, v1;
	v41 =	vld.idx.msk [tilespmem:v32+s26+$0x0], $0xffff;
	v8 =	vunpack.i.u.bf16.f32 v8;
	v5 =	vunpack.i.u.bf16.f32 v27  }
0x85: {  	v10 =	vld.idx.msk [tilespmem:v35+s29+$0x0], $0xffff;
	v43 =	vmul.f32 v8, v5;
	v3 =	vadd.f32 v40, v3  }
0x86: {  	v44 =	vunpack.i.l.bf16.f32 v34;
	v45 =	vunpack.i.l.bf16.f32 v6  }
0x87: {  	v46 =	vor.u32 $0x8, v2;
	v47 =	vmul.f32 v45, v44;
	v3 =	vadd.f32 v3, v43  }
0x88: {  	v49 =	vor.u32 $0x8, v1;
	v48 =	vld.idx.msk [tilespmem:v39+s26+$0x0], $0xffff;
	v9 =	vunpack.i.u.bf16.f32 v34;
	v6 =	vunpack.i.u.bf16.f32 v6  }
0x89: {  	v11 =	vld.idx.msk [tilespmem:v42+s29+$0x0], $0xffff;
	v50 =	vmul.f32 v6, v9;
	v3 =	vadd.f32 v47, v3  }
0x8a: {  	v51 =	vunpack.i.l.bf16.f32 v41;
	v52 =	vunpack.i.l.bf16.f32 v10  }
0x8b: {  	v53 =	vor.u32 $0x9, v2;
	v54 =	vmul.f32 v52, v51;
	v3 =	vadd.f32 v3, v50  }
0x8c: {  	v56 =	vor.u32 $0x9, v1;
	v55 =	vld.idx.msk [tilespmem:v46+s26+$0x0], $0xffff;
	v7 =	vunpack.i.u.bf16.f32 v41;
	v10 =	vunpack.i.u.bf16.f32 v10  }
0x8d: {  	v8 =	vld.idx.msk [tilespmem:v49+s29+$0x0], $0xffff;
	v57 =	vmul.f32 v10, v7;
	v3 =	vadd.f32 v54, v3  }
0x8e: {  	v58 =	vunpack.i.l.bf16.f32 v48;
	v59 =	vunpack.i.l.bf16.f32 v11  }
0x8f: {  	v60 =	vor.u32 $0xA, v2;
	v61 =	vmul.f32 v59, v58;
	v3 =	vadd.f32 v3, v57  }
0x90: {  	v62 =	vld.idx.msk [tilespmem:v53+s26+$0x0], $0xffff;
	v63 =	vor.u32 $0xA, v1;
	v5 =	vunpack.i.u.bf16.f32 v48;
	v11 =	vunpack.i.u.bf16.f32 v11  }
0x91: {  	v9 =	vld.idx.msk [tilespmem:v56+s29+$0x0], $0xffff;
	v16 =	vmul.f32 v11, v5;
	v3 =	vadd.f32 v61, v3  }
0x92: {  	v17 =	vunpack.i.l.bf16.f32 v55;
	v18 =	vunpack.i.l.bf16.f32 v8  }
0x93: {  	v19 =	vor.u32 $0xB, v2;
	v20 =	vmul.f32 v18, v17;
	v3 =	vadd.f32 v3, v16  }
0x94: {  	v22 =	vor.u32 $0xB, v1;
	v21 =	vld.idx.msk [tilespmem:v60+s26+$0x0], $0xffff;
	v8 =	vunpack.i.u.bf16.f32 v8;
	v6 =	vunpack.i.u.bf16.f32 v55  }
0x95: {  	v10 =	vld.idx.msk [tilespmem:v63+s29+$0x0], $0xffff;
	v23 =	vmul.f32 v8, v6;
	v3 =	vadd.f32 v20, v3  }
0x96: {  	v24 =	vunpack.i.l.bf16.f32 v62;
	v25 =	vunpack.i.l.bf16.f32 v9  }
0x97: {  	v26 =	vor.u32 $0xC, v2;
	v27 =	vmul.f32 v25, v24;
	v3 =	vadd.f32 v3, v23  }
0x98: {  	v28 =	vld.idx.msk [tilespmem:v19+s26+$0x0], $0xffff;
	v7 =	vunpack.i.u.bf16.f32 v62;
	v29 =	vor.u32 $0xC, v1;
	v9 =	vunpack.i.u.bf16.f32 v9  }
0x99: {  	v11 =	vld.idx.msk [tilespmem:v22+s29+$0x0], $0xffff;
	v30 =	vmul.f32 v9, v7;
	v3 =	vadd.f32 v27, v3  }
0x9a: {  	v31 =	vunpack.i.l.bf16.f32 v21;
	v32 =	vunpack.i.l.bf16.f32 v10  }
0x9b: {  	v34 =	vmul.f32 v32, v31;
	v33 =	vor.u32 $0xD, v2;
	v3 =	vadd.f32 v3, v30  }
0x9c: {  	v5 =	vunpack.i.u.bf16.f32 v21;
	v10 =	vunpack.i.u.bf16.f32 v10;
	v35 =	vld.idx.msk [tilespmem:v26+s26+$0x0], $0xffff;
	v36 =	vor.u32 $0xD, v1  }
0x9d: {  	v37 =	vmul.f32 v10, v5;
	v8 =	vld.idx.msk [tilespmem:v29+s29+$0x0], $0xffff;
	v3 =	vadd.f32 v34, v3  }
0x9e: {  	v38 =	vunpack.i.l.bf16.f32 v28;
	v39 =	vunpack.i.l.bf16.f32 v11  }
0x9f: {  	v40 =	vor.u32 $0xE, v2;
	v41 =	vmul.f32 v39, v38;
	v3 =	vadd.f32 v3, v37  }
0xa0: {  	v6 =	vunpack.i.u.bf16.f32 v28;
	v11 =	vunpack.i.u.bf16.f32 v11;
	v42 =	vld.idx.msk [tilespmem:v33+s26+$0x0], $0xffff;
	v43 =	vor.u32 $0xE, v1  }
0xa1: {  	v44 =	vmul.f32 v11, v6;
	v9 =	vld.idx.msk [tilespmem:v36+s29+$0x0], $0xffff;
	v3 =	vadd.f32 v41, v3  }
0xa2: {  	v45 =	vunpack.i.l.bf16.f32 v35;
	v46 =	vunpack.i.l.bf16.f32 v8  }
0xa3: {  	v2 =	vor.u32 $0xF, v2;
	v47 =	vmul.f32 v46, v45;
	v3 =	vadd.f32 v3, v44  }
0xa4: {  	v1 =	vor.u32 $0xF, v1;
	v7 =	vunpack.i.u.bf16.f32 v35;
	v8 =	vunpack.i.u.bf16.f32 v8;
	v48 =	vld.idx.msk [tilespmem:v40+s26+$0x0], $0xffff  }
0xa5: {  	v49 =	vmul.f32 v8, v7;
	v10 =	vld.idx.msk [tilespmem:v43+s29+$0x0], $0xffff;
	v3 =	vadd.f32 v47, v3  }
0xa6: {  	v50 =	vunpack.i.l.bf16.f32 v42;
	v51 =	vunpack.i.l.bf16.f32 v9  }
0xa7: {  	v52 =	vmul.f32 v51, v50;
	v3 =	vadd.f32 v3, v49  }
0xa8: {  	v2 =	vld.idx.msk [tilespmem:v2+s26+$0x0], $0xffff;
	v5 =	vunpack.i.u.bf16.f32 v42;
	v53 =	vunpack.i.u.bf16.f32 v9  }
0xa9: {  	v1 =	vld.idx.msk [tilespmem:v1+s29+$0x0], $0xffff;
	v54 =	vmul.f32 v53, v5;
	v3 =	vadd.f32 v52, v3  }
0xaa: {  	v55 =	vunpack.i.l.bf16.f32 v48;
	v56 =	vunpack.i.l.bf16.f32 v10  }
0xab: {  	v57 =	vmul.f32 v56, v55;
	v3 =	vadd.f32 v3, v54  }
0xac: {  	v58 =	vunpack.i.u.bf16.f32 v48;
	v59 =	vunpack.i.u.bf16.f32 v10  }
0xad: {  	v60 =	vmul.f32 v59, v58;
	v3 =	vadd.f32 v57, v3  }
0xae: {  	v61 =	vunpack.i.l.bf16.f32 v2;
	v62 =	vunpack.i.l.bf16.f32 v1  }
0xaf: {  	v63 =	vmul.f32 v62, v61;
	v3 =	vadd.f32 v3, v60  }
0xb0: {  	v2 =	vunpack.i.u.bf16.f32 v2;
	v1 =	vunpack.i.u.bf16.f32 v1  }
0xb1: {  	v1 =	vmul.f32 v1, v2;
	v3 =	vadd.f32 v63, v3;
	_ =	sdelay $0x1  }
0xb2: {  	v1 =	vadd.f32 v3, v1  }
0xb3: {  	s23 =	simm.s32 $0x10C00  }
0xb4: {  	s24 =	simm.s32 $0x10;
	[tilespmem:s23+$0x0] =	vst v1  }
0xb5: {  	s25 =	simm.s32 $0x210;
	v1 =	vld [tilespmem:s24+$0x0]  }
0xb6: {  	s30 =	simm.s32 $0x10;
	s28 =	simm.s32 $0x20;
	v2 =	vld [tilespmem:s25+$0x0]  }
.LBB2_4:
0xb7: {  	p0 =	sne.s32 s28, $0xF0;
	_ =	sdelay $0x1  }
0xb8: {  	v3 =	vmov s24;
	s24 =	smov.u32 s28  }
0xb9: {  	v3 =	vshll.u32 v3, $0x7;
	v1 =	vshrl.u32 v1, $0x9  }
0xba: {  	v3 =	vor.u32 v0, v3;
	v1 =	vand.u32 $0x70, v1;
	v2 =	vshrl.u32 v2, $0x9  }
0xbb: {  	v4 =	vand.u32 $0x70, v2;
	v2 =	vor.u32 v3, v1  }
0xbc: {  	v1 =	vor.u32 v3, v4;
	_ =	sdelay $0x2  }
0xbd: {  	v3 =	vor.u32 $0x1, v2  }
0xbe: {  	v5 =	vor.u32 $0x1, v1;
	v4 =	vld.idx.msk [tilespmem:v2+s26+$0x0], $0xffff  }
0xbf: {  	s21 =	sadd.s32 $0x10, s21;
	v6 =	vld.idx.msk [tilespmem:v1+s29+$0x0], $0xffff  }
0xc0: {  	s22 =	sadd.s32 $0x10, s22;
	v7 =	vld [tilespmem:s21+$0x0]  }
0xc1: {  	v9 =	vor.u32 $0x2, v2;
	v8 =	vld [tilespmem:s22+$0x0]  }
0xc2: {  	v10 =	vor.u32 $0x2, v1;
	v3 =	vld.idx.msk [tilespmem:v3+s26+$0x0], $0xffff  }
0xc3: {  	v5 =	vld.idx.msk [tilespmem:v5+s29+$0x0], $0xffff;
	_ =	sdelay $0x1  }
0xc4: {  	v13 =	vor.u32 $0x3, v2;
	v11 =	vunpack.i.l.bf16.f32 v4;
	v12 =	vunpack.i.l.bf16.f32 v6  }
0xc5: {  	v7 =	vadd.f32 v8, v7;
	v8 =	vmul.f32 v12, v11;
	v9 =	vld.idx.msk [tilespmem:v9+s26+$0x0], $0xffff;
	v11 =	vor.u32 $0x3, v1  }
0xc6: {  	v4 =	vunpack.i.u.bf16.f32 v4;
	v6 =	vunpack.i.u.bf16.f32 v6;
	v10 =	vld.idx.msk [tilespmem:v10+s29+$0x0], $0xffff  }
0xc7: {  	v4 =	vmul.f32 v6, v4;
	v7 =	vadd.f32 v8, v7  }
0xc8: {  	v12 =	vor.u32 $0x4, v2;
	v6 =	vunpack.i.l.bf16.f32 v3;
	v8 =	vunpack.i.l.bf16.f32 v5  }
0xc9: {  	v6 =	vmul.f32 v8, v6;
	v8 =	vor.u32 $0x4, v1;
	v4 =	vadd.f32 v7, v4;
	v7 =	vld.idx.msk [tilespmem:v13+s26+$0x0], $0xffff  }
0xca: {  	v3 =	vunpack.i.u.bf16.f32 v3;
	v5 =	vunpack.i.u.bf16.f32 v5;
	v11 =	vld.idx.msk [tilespmem:v11+s29+$0x0], $0xffff  }
0xcb: {  	v3 =	vmul.f32 v5, v3;
	v4 =	vadd.f32 v6, v4  }
0xcc: {  	v13 =	vor.u32 $0x5, v2;
	v5 =	vunpack.i.l.bf16.f32 v9;
	v6 =	vunpack.i.l.bf16.f32 v10  }
0xcd: {  	v3 =	vadd.f32 v4, v3;
	v4 =	vmul.f32 v6, v5;
	v5 =	vld.idx.msk [tilespmem:v12+s26+$0x0], $0xffff;
	v6 =	vor.u32 $0x5, v1  }
0xce: {  	v9 =	vunpack.i.u.bf16.f32 v9;
	v10 =	vunpack.i.u.bf16.f32 v10;
	v8 =	vld.idx.msk [tilespmem:v8+s29+$0x0], $0xffff  }
0xcf: {  	v3 =	vadd.f32 v4, v3;
	v4 =	vmul.f32 v10, v9  }
0xd0: {  	v12 =	vor.u32 $0x6, v2;
	v9 =	vunpack.i.l.bf16.f32 v7;
	v10 =	vunpack.i.l.bf16.f32 v11  }
0xd1: {  	v3 =	vadd.f32 v3, v4;
	v4 =	vmul.f32 v10, v9;
	v9 =	vld.idx.msk [tilespmem:v13+s26+$0x0], $0xffff;
	v10 =	vor.u32 $0x6, v1  }
0xd2: {  	v7 =	vunpack.i.u.bf16.f32 v7;
	v11 =	vunpack.i.u.bf16.f32 v11;
	v6 =	vld.idx.msk [tilespmem:v6+s29+$0x0], $0xffff  }
0xd3: {  	v3 =	vadd.f32 v4, v3;
	v4 =	vmul.f32 v11, v7  }
0xd4: {  	v13 =	vor.u32 $0x7, v2;
	v7 =	vunpack.i.l.bf16.f32 v5;
	v11 =	vunpack.i.l.bf16.f32 v8  }
0xd5: {  	v3 =	vadd.f32 v3, v4;
	v4 =	vmul.f32 v11, v7;
	v7 =	vld.idx.msk [tilespmem:v12+s26+$0x0], $0xffff;
	v11 =	vor.u32 $0x7, v1  }
0xd6: {  	v5 =	vunpack.i.u.bf16.f32 v5;
	v8 =	vunpack.i.u.bf16.f32 v8;
	v10 =	vld.idx.msk [tilespmem:v10+s29+$0x0], $0xffff  }
0xd7: {  	v3 =	vadd.f32 v4, v3;
	v4 =	vmul.f32 v8, v5  }
0xd8: {  	v12 =	vor.u32 $0x8, v2;
	v5 =	vunpack.i.l.bf16.f32 v9;
	v8 =	vunpack.i.l.bf16.f32 v6  }
0xd9: {  	v3 =	vadd.f32 v3, v4;
	v4 =	vmul.f32 v8, v5;
	v5 =	vld.idx.msk [tilespmem:v13+s26+$0x0], $0xffff;
	v8 =	vor.u32 $0x8, v1  }
0xda: {  	v9 =	vunpack.i.u.bf16.f32 v9;
	v6 =	vunpack.i.u.bf16.f32 v6;
	v11 =	vld.idx.msk [tilespmem:v11+s29+$0x0], $0xffff  }
0xdb: {  	v3 =	vadd.f32 v4, v3;
	v4 =	vmul.f32 v6, v9  }
0xdc: {  	v13 =	vor.u32 $0x9, v2;
	v6 =	vunpack.i.l.bf16.f32 v7;
	v9 =	vunpack.i.l.bf16.f32 v10  }
0xdd: {  	v3 =	vadd.f32 v3, v4;
	v4 =	vmul.f32 v9, v6;
	v6 =	vld.idx.msk [tilespmem:v12+s26+$0x0], $0xffff;
	v9 =	vor.u32 $0x9, v1  }
0xde: {  	v7 =	vunpack.i.u.bf16.f32 v7;
	v10 =	vunpack.i.u.bf16.f32 v10;
	v8 =	vld.idx.msk [tilespmem:v8+s29+$0x0], $0xffff  }
0xdf: {  	v3 =	vadd.f32 v4, v3;
	v4 =	vmul.f32 v10, v7  }
0xe0: {  	v12 =	vor.u32 $0xA, v2;
	v7 =	vunpack.i.l.bf16.f32 v5;
	v10 =	vunpack.i.l.bf16.f32 v11  }
0xe1: {  	v3 =	vadd.f32 v3, v4;
	v4 =	vmul.f32 v10, v7;
	v7 =	vld.idx.msk [tilespmem:v13+s26+$0x0], $0xffff;
	v10 =	vor.u32 $0xA, v1  }
0xe2: {  	v5 =	vunpack.i.u.bf16.f32 v5;
	v11 =	vunpack.i.u.bf16.f32 v11;
	v9 =	vld.idx.msk [tilespmem:v9+s29+$0x0], $0xffff  }
0xe3: {  	v3 =	vadd.f32 v4, v3;
	v4 =	vmul.f32 v11, v5  }
0xe4: {  	v13 =	vor.u32 $0xB, v2;
	v5 =	vunpack.i.l.bf16.f32 v6;
	v11 =	vunpack.i.l.bf16.f32 v8  }
0xe5: {  	v3 =	vadd.f32 v3, v4;
	v4 =	vmul.f32 v11, v5;
	v5 =	vld.idx.msk [tilespmem:v12+s26+$0x0], $0xffff;
	v11 =	vor.u32 $0xB, v1  }
0xe6: {  	v6 =	vunpack.i.u.bf16.f32 v6;
	v8 =	vunpack.i.u.bf16.f32 v8;
	v10 =	vld.idx.msk [tilespmem:v10+s29+$0x0], $0xffff  }
0xe7: {  	v3 =	vadd.f32 v4, v3;
	v4 =	vmul.f32 v8, v6  }
0xe8: {  	v12 =	vor.u32 $0xC, v2;
	v6 =	vunpack.i.l.bf16.f32 v7;
	v8 =	vunpack.i.l.bf16.f32 v9  }
0xe9: {  	v3 =	vadd.f32 v3, v4;
	v4 =	vmul.f32 v8, v6;
	v6 =	vld.idx.msk [tilespmem:v13+s26+$0x0], $0xffff;
	v8 =	vor.u32 $0xC, v1  }
0xea: {  	v7 =	vunpack.i.u.bf16.f32 v7;
	v9 =	vunpack.i.u.bf16.f32 v9;
	v11 =	vld.idx.msk [tilespmem:v11+s29+$0x0], $0xffff  }
0xeb: {  	v3 =	vadd.f32 v4, v3;
	v4 =	vmul.f32 v9, v7  }
0xec: {  	v13 =	vor.u32 $0xD, v2;
	v7 =	vunpack.i.l.bf16.f32 v5;
	v9 =	vunpack.i.l.bf16.f32 v10  }
0xed: {  	v3 =	vadd.f32 v3, v4;
	v4 =	vmul.f32 v9, v7;
	v7 =	vld.idx.msk [tilespmem:v12+s26+$0x0], $0xffff;
	v9 =	vor.u32 $0xD, v1  }
0xee: {  	v5 =	vunpack.i.u.bf16.f32 v5;
	v10 =	vunpack.i.u.bf16.f32 v10;
	v8 =	vld.idx.msk [tilespmem:v8+s29+$0x0], $0xffff  }
0xef: {  	v3 =	vadd.f32 v4, v3;
	v4 =	vmul.f32 v10, v5  }
0xf0: {  	v12 =	vor.u32 $0xE, v2;
	v5 =	vunpack.i.l.bf16.f32 v6;
	v10 =	vunpack.i.l.bf16.f32 v11  }
0xf1: {  	v3 =	vadd.f32 v3, v4;
	v4 =	vmul.f32 v10, v5;
	v5 =	vld.idx.msk [tilespmem:v13+s26+$0x0], $0xffff;
	v10 =	vor.u32 $0xE, v1  }
0xf2: {  	v6 =	vunpack.i.u.bf16.f32 v6;
	v11 =	vunpack.i.u.bf16.f32 v11;
	v9 =	vld.idx.msk [tilespmem:v9+s29+$0x0], $0xffff  }
0xf3: {  	v3 =	vadd.f32 v4, v3;
	v4 =	vmul.f32 v11, v6  }
0xf4: {  	v2 =	vor.u32 $0xF, v2;
	v6 =	vunpack.i.l.bf16.f32 v7;
	v11 =	vunpack.i.l.bf16.f32 v8  }
0xf5: {  	v1 =	vor.u32 $0xF, v1;
	v3 =	vadd.f32 v3, v4;
	v4 =	vmul.f32 v11, v6;
	v6 =	vld.idx.msk [tilespmem:v12+s26+$0x0], $0xffff  }
0xf6: {  	v7 =	vunpack.i.u.bf16.f32 v7;
	v8 =	vunpack.i.u.bf16.f32 v8;
	v10 =	vld.idx.msk [tilespmem:v10+s29+$0x0], $0xffff  }
0xf7: {  	v3 =	vadd.f32 v4, v3;
	v4 =	vmul.f32 v8, v7  }
0xf8: {  	v7 =	vunpack.i.l.bf16.f32 v5;
	v8 =	vunpack.i.l.bf16.f32 v9  }
0xf9: {  	v3 =	vadd.f32 v3, v4;
	v4 =	vmul.f32 v8, v7;
	v2 =	vld.idx.msk [tilespmem:v2+s26+$0x0], $0xffff  }
0xfa: {  	v5 =	vunpack.i.u.bf16.f32 v5;
	v7 =	vunpack.i.u.bf16.f32 v9;
	v1 =	vld.idx.msk [tilespmem:v1+s29+$0x0], $0xffff  }
0xfb: {  	v3 =	vadd.f32 v4, v3;
	v4 =	vmul.f32 v7, v5  }
0xfc: {  	v5 =	vunpack.i.l.bf16.f32 v6;
	v7 =	vunpack.i.l.bf16.f32 v10  }
0xfd: {  	v3 =	vadd.f32 v3, v4;
	v4 =	vmul.f32 v7, v5  }
0xfe: {  	v5 =	vunpack.i.u.bf16.f32 v6;
	v6 =	vunpack.i.u.bf16.f32 v10  }
0xff: {  	v3 =	vadd.f32 v4, v3;
	v4 =	vmul.f32 v6, v5  }
0x100: {  	v5 =	vunpack.i.l.bf16.f32 v2;
	v6 =	vunpack.i.l.bf16.f32 v1  }
0x101: {  	v3 =	vadd.f32 v3, v4;
	v4 =	vmul.f32 v6, v5  }
0x102: {  	v2 =	vunpack.i.u.bf16.f32 v2;
	v1 =	vunpack.i.u.bf16.f32 v1  }
0x103: {  	v1 =	vmul.f32 v1, v2;
	v3 =	vadd.f32 v4, v3;
	_ =	sdelay $0x1  }
.Ltmp1:
0x104: {  	v1 =	vadd.f32 v3, v1;
	(pc) =	sbr.rel @p0 .LBB2_4-.Ltmp1, $4  }
0x105: {  	s23 =	sadd.s32 $0x10, s23  }
0x106: {  	s30 =	sadd.s32 $0x10, s30;
	[tilespmem:s23+$0x0] =	vst v1  }
0x107: {  	s25 =	sadd.s32 $0x10, s25;
	v1 =	vld [tilespmem:s30+$0x0]  }
0x108: {  	s28 =	sadd.s32 $0x10, s28;
	v2 =	vld [tilespmem:s25+$0x0]  }
0x109: {  	_ =	sdelay $0x1  }
0x10a: {  	v3 =	vmov s24  }
0x10b: {  	v3 =	vshll.u32 v3, $0x7;
	v1 =	vshrl.u32 v1, $0x9  }
0x10c: {  	v3 =	vor.u32 v0, v3;
	v1 =	vand.u32 $0x70, v1;
	v2 =	vshrl.u32 v2, $0x9  }
0x10d: {  	v4 =	vand.u32 $0x70, v2;
	v2 =	vor.u32 v3, v1  }
0x10e: {  	v1 =	vor.u32 v3, v4;
	_ =	sdelay $0x1  }
0x10f: {  	s21 =	sadd.s32 $0x10, s21  }
0x110: {  	v7 =	vld [tilespmem:s21+$0x0];
	v3 =	vor.u32 $0x1, v2  }
0x111: {  	v5 =	vor.u32 $0x1, v1;
	v53 =	vld.idx.msk [tilespmem:v2+s26+$0x0], $0xffff  }
0x112: {  	s25 =	sadd.s32 $0x10, s22;
	v6 =	vld.idx.msk [tilespmem:v1+s29+$0x0], $0xffff  }
0x113: {  	v8 =	vld [tilespmem:s25+$0x0]  }
0x114: {  	v9 =	vor.u32 $0x2, v2  }
0x115: {  	v10 =	vor.u32 $0x2, v1;
	v3 =	vld.idx.msk [tilespmem:v3+s26+$0x0], $0xffff  }
0x116: {  	v5 =	vld.idx.msk [tilespmem:v5+s29+$0x0], $0xffff  }
0x117: {  	v11 =	vunpack.i.l.bf16.f32 v53;
	v12 =	vunpack.i.l.bf16.f32 v6  }
0x118: {  	v13 =	vor.u32 $0x3, v2;
	v7 =	vadd.f32 v8, v7;
	v54 =	vmul.f32 v12, v11  }
0x119: {  	v55 =	vor.u32 $0x3, v1;
	v9 =	vld.idx.msk [tilespmem:v9+s26+$0x0], $0xffff;
	v4 =	vunpack.i.u.bf16.f32 v53;
	v6 =	vunpack.i.u.bf16.f32 v6  }
0x11a: {  	v10 =	vld.idx.msk [tilespmem:v10+s29+$0x0], $0xffff;
	v4 =	vmul.f32 v6, v4;
	v7 =	vadd.f32 v54, v7  }
0x11b: {  	v56 =	vunpack.i.l.bf16.f32 v3;
	v57 =	vunpack.i.l.bf16.f32 v5  }
0x11c: {  	v58 =	vor.u32 $0x4, v2;
	v6 =	vmul.f32 v57, v56;
	v4 =	vadd.f32 v7, v4  }
0x11d: {  	v60 =	vor.u32 $0x4, v1;
	v59 =	vld.idx.msk [tilespmem:v13+s26+$0x0], $0xffff;
	v3 =	vunpack.i.u.bf16.f32 v3;
	v5 =	vunpack.i.u.bf16.f32 v5  }
0x11e: {  	v11 =	vld.idx.msk [tilespmem:v55+s29+$0x0], $0xffff;
	v3 =	vmul.f32 v5, v3;
	v4 =	vadd.f32 v6, v4  }
0x11f: {  	v61 =	vunpack.i.l.bf16.f32 v9;
	v62 =	vunpack.i.l.bf16.f32 v10  }
0x120: {  	v63 =	vor.u32 $0x5, v2;
	v15 =	vmul.f32 v62, v61;
	v3 =	vadd.f32 v4, v3  }
0x121: {  	v17 =	vor.u32 $0x5, v1;
	v16 =	vld.idx.msk [tilespmem:v58+s26+$0x0], $0xffff;
	v9 =	vunpack.i.u.bf16.f32 v9;
	v10 =	vunpack.i.u.bf16.f32 v10  }
0x122: {  	v8 =	vld.idx.msk [tilespmem:v60+s29+$0x0], $0xffff;
	v18 =	vmul.f32 v10, v9;
	v3 =	vadd.f32 v15, v3  }
0x123: {  	v19 =	vunpack.i.l.bf16.f32 v59;
	v20 =	vunpack.i.l.bf16.f32 v11  }
0x124: {  	v21 =	vor.u32 $0x6, v2;
	v22 =	vmul.f32 v20, v19;
	v3 =	vadd.f32 v3, v18  }
0x125: {  	v24 =	vor.u32 $0x6, v1;
	v23 =	vld.idx.msk [tilespmem:v63+s26+$0x0], $0xffff;
	v7 =	vunpack.i.u.bf16.f32 v59;
	v11 =	vunpack.i.u.bf16.f32 v11  }
0x126: {  	v6 =	vld.idx.msk [tilespmem:v17+s29+$0x0], $0xffff;
	v25 =	vmul.f32 v11, v7;
	v3 =	vadd.f32 v22, v3  }
0x127: {  	v26 =	vunpack.i.l.bf16.f32 v16;
	v27 =	vunpack.i.l.bf16.f32 v8  }
0x128: {  	v28 =	vor.u32 $0x7, v2;
	v29 =	vmul.f32 v27, v26;
	v3 =	vadd.f32 v3, v25  }
0x129: {  	v31 =	vor.u32 $0x7, v1;
	v30 =	vld.idx.msk [tilespmem:v21+s26+$0x0], $0xffff;
	v8 =	vunpack.i.u.bf16.f32 v8;
	v5 =	vunpack.i.u.bf16.f32 v16  }
0x12a: {  	v10 =	vld.idx.msk [tilespmem:v24+s29+$0x0], $0xffff;
	v32 =	vmul.f32 v8, v5;
	v3 =	vadd.f32 v29, v3  }
0x12b: {  	v33 =	vunpack.i.l.bf16.f32 v23;
	v34 =	vunpack.i.l.bf16.f32 v6  }
0x12c: {  	v35 =	vor.u32 $0x8, v2;
	v36 =	vmul.f32 v34, v33;
	v3 =	vadd.f32 v3, v32  }
0x12d: {  	v38 =	vor.u32 $0x8, v1;
	v37 =	vld.idx.msk [tilespmem:v28+s26+$0x0], $0xffff;
	v9 =	vunpack.i.u.bf16.f32 v23;
	v6 =	vunpack.i.u.bf16.f32 v6  }
0x12e: {  	v11 =	vld.idx.msk [tilespmem:v31+s29+$0x0], $0xffff;
	v39 =	vmul.f32 v6, v9;
	v3 =	vadd.f32 v36, v3  }
0x12f: {  	v40 =	vunpack.i.l.bf16.f32 v30;
	v41 =	vunpack.i.l.bf16.f32 v10  }
0x130: {  	v42 =	vor.u32 $0x9, v2;
	v43 =	vmul.f32 v41, v40;
	v3 =	vadd.f32 v3, v39  }
0x131: {  	v45 =	vor.u32 $0x9, v1;
	v44 =	vld.idx.msk [tilespmem:v35+s26+$0x0], $0xffff;
	v7 =	vunpack.i.u.bf16.f32 v30;
	v10 =	vunpack.i.u.bf16.f32 v10  }
0x132: {  	v8 =	vld.idx.msk [tilespmem:v38+s29+$0x0], $0xffff;
	v46 =	vmul.f32 v10, v7;
	v3 =	vadd.f32 v43, v3  }
0x133: {  	v47 =	vunpack.i.l.bf16.f32 v37;
	v48 =	vunpack.i.l.bf16.f32 v11  }
0x134: {  	v49 =	vor.u32 $0xA, v2;
	v50 =	vmul.f32 v48, v47;
	v3 =	vadd.f32 v3, v46  }
0x135: {  	v52 =	vor.u32 $0xA, v1;
	v51 =	vld.idx.msk [tilespmem:v42+s26+$0x0], $0xffff;
	v5 =	vunpack.i.u.bf16.f32 v37;
	v11 =	vunpack.i.u.bf16.f32 v11  }
0x136: {  	v9 =	vld.idx.msk [tilespmem:v45+s29+$0x0], $0xffff;
	v53 =	vmul.f32 v11, v5;
	v3 =	vadd.f32 v50, v3  }
0x137: {  	v54 =	vunpack.i.l.bf16.f32 v44;
	v55 =	vunpack.i.l.bf16.f32 v8  }
0x138: {  	v56 =	vor.u32 $0xB, v2;
	v57 =	vmul.f32 v55, v54;
	v3 =	vadd.f32 v3, v53  }
0x139: {  	v58 =	vld.idx.msk [tilespmem:v49+s26+$0x0], $0xffff;
	v59 =	vor.u32 $0xB, v1;
	v8 =	vunpack.i.u.bf16.f32 v8;
	v6 =	vunpack.i.u.bf16.f32 v44  }
0x13a: {  	v10 =	vld.idx.msk [tilespmem:v52+s29+$0x0], $0xffff;
	v60 =	vmul.f32 v8, v6;
	v3 =	vadd.f32 v57, v3  }
0x13b: {  	v61 =	vunpack.i.l.bf16.f32 v51;
	v62 =	vunpack.i.l.bf16.f32 v9  }
0x13c: {  	v63 =	vor.u32 $0xC, v2;
	v16 =	vmul.f32 v62, v61;
	v3 =	vadd.f32 v3, v60  }
0x13d: {  	v17 =	vld.idx.msk [tilespmem:v56+s26+$0x0], $0xffff;
	v7 =	vunpack.i.u.bf16.f32 v51;
	v18 =	vor.u32 $0xC, v1;
	v9 =	vunpack.i.u.bf16.f32 v9  }
0x13e: {  	v11 =	vld.idx.msk [tilespmem:v59+s29+$0x0], $0xffff;
	v19 =	vmul.f32 v9, v7;
	v3 =	vadd.f32 v16, v3  }
0x13f: {  	v20 =	vunpack.i.l.bf16.f32 v58;
	v21 =	vunpack.i.l.bf16.f32 v10  }
0x140: {  	v23 =	vmul.f32 v21, v20;
	v22 =	vor.u32 $0xD, v2;
	v3 =	vadd.f32 v3, v19  }
0x141: {  	v24 =	vld.idx.msk [tilespmem:v63+s26+$0x0], $0xffff;
	v5 =	vunpack.i.u.bf16.f32 v58;
	v10 =	vunpack.i.u.bf16.f32 v10;
	v25 =	vor.u32 $0xD, v1  }
0x142: {  	v26 =	vmul.f32 v10, v5;
	v8 =	vld.idx.msk [tilespmem:v18+s29+$0x0], $0xffff;
	v3 =	vadd.f32 v23, v3  }
0x143: {  	v27 =	vunpack.i.l.bf16.f32 v17;
	v28 =	vunpack.i.l.bf16.f32 v11  }
0x144: {  	v29 =	vor.u32 $0xE, v2;
	v30 =	vmul.f32 v28, v27;
	v3 =	vadd.f32 v3, v26  }
0x145: {  	v6 =	vunpack.i.u.bf16.f32 v17;
	v11 =	vunpack.i.u.bf16.f32 v11;
	v31 =	vld.idx.msk [tilespmem:v22+s26+$0x0], $0xffff;
	v32 =	vor.u32 $0xE, v1  }
0x146: {  	v33 =	vmul.f32 v11, v6;
	v9 =	vld.idx.msk [tilespmem:v25+s29+$0x0], $0xffff;
	v3 =	vadd.f32 v30, v3  }
0x147: {  	v34 =	vunpack.i.l.bf16.f32 v24;
	v35 =	vunpack.i.l.bf16.f32 v8  }
0x148: {  	v2 =	vor.u32 $0xF, v2;
	v36 =	vmul.f32 v35, v34;
	v3 =	vadd.f32 v3, v33  }
0x149: {  	v7 =	vunpack.i.u.bf16.f32 v24;
	v1 =	vor.u32 $0xF, v1;
	v8 =	vunpack.i.u.bf16.f32 v8;
	v37 =	vld.idx.msk [tilespmem:v29+s26+$0x0], $0xffff  }
0x14a: {  	v38 =	vmul.f32 v8, v7;
	v10 =	vld.idx.msk [tilespmem:v32+s29+$0x0], $0xffff;
	v3 =	vadd.f32 v36, v3  }
0x14b: {  	v39 =	vunpack.i.l.bf16.f32 v31;
	v40 =	vunpack.i.l.bf16.f32 v9  }
0x14c: {  	v41 =	vmul.f32 v40, v39;
	v3 =	vadd.f32 v3, v38  }
0x14d: {  	v2 =	vld.idx.msk [tilespmem:v2+s26+$0x0], $0xffff;
	v5 =	vunpack.i.u.bf16.f32 v31;
	v42 =	vunpack.i.u.bf16.f32 v9  }
0x14e: {  	v1 =	vld.idx.msk [tilespmem:v1+s29+$0x0], $0xffff;
	v43 =	vmul.f32 v42, v5;
	v3 =	vadd.f32 v41, v3  }
0x14f: {  	v44 =	vunpack.i.l.bf16.f32 v37;
	v45 =	vunpack.i.l.bf16.f32 v10  }
0x150: {  	v46 =	vmul.f32 v45, v44;
	v3 =	vadd.f32 v3, v43  }
0x151: {  	v47 =	vunpack.i.u.bf16.f32 v37;
	v48 =	vunpack.i.u.bf16.f32 v10  }
0x152: {  	v49 =	vmul.f32 v48, v47;
	v3 =	vadd.f32 v46, v3  }
0x153: {  	v50 =	vunpack.i.l.bf16.f32 v2;
	v51 =	vunpack.i.l.bf16.f32 v1  }
0x154: {  	v52 =	vmul.f32 v51, v50;
	v3 =	vadd.f32 v3, v49  }
0x155: {  	v2 =	vunpack.i.u.bf16.f32 v2;
	v1 =	vunpack.i.u.bf16.f32 v1  }
0x156: {  	v1 =	vmul.f32 v1, v2;
	v3 =	vadd.f32 v52, v3;
	_ =	sdelay $0x1  }
0x157: {  	v1 =	vadd.f32 v3, v1  }
0x158: {  	s22 =	sadd.s32 $0x10, s23  }
0x159: {  	[tilespmem:s22+$0x0] =	vst v1  }
0x15a: {  	[tilespmem:s26], [sflag:$0x2] =	stream.indirect.gather [hbm4b:s1+s13], $0x80, s15, s13, $0xb8;
	[tilespmem:$0x10E00] =	vst v63  }
0x15b: {  	_ = 	snop  }
0x15c: {  	[tilespmem:s29], [sflag:$0x2] =	stream.indirect.gather [hbm4b:s2+s13], $0x80, s16, s13, $0xb8;
	[tilespmem:$0x10E00] =	vst v63  }
0x15d: {  	_ = 	snop  }
0x15e: {  	[tilespmem:s31], [sflag:$0x2] =	stream.indirect.gather [hbm4b:s1+s13], $0x80, s17, s13, $0xb8;
	[tilespmem:$0x10E00] =	vst v63  }
0x15f: {  	_ = 	snop  }
0x160: {  	[tilespmem:s4], [sflag:$0x2] =	stream.indirect.gather [hbm4b:s2+s13], $0x80, s18, s13, $0xb8;
	[tilespmem:$0x10E00] =	vst v63  }
0x161: {  	_ =	swait.ge [sflag:s12], $0x4000  }
0x162: {  	[sflag:s12] =	ssyncset.done $0x0  }
0x163: {  	[sflag:s12] =	ssyncadd.s32 $0xFFFFC000  }
0x164: {  	_ =	swait.ge [sflag:s12], $0x4000  }
0x165: {  	[sflag:s12] =	ssyncset.done $0x0  }
0x166: {  	[sflag:s12] =	ssyncadd.s32 $0xFFFFC000  }
0x167: {  	_ =	swait.ge [sflag:s12], $0x4000  }
0x168: {  	[sflag:s12] =	ssyncset.done $0x0  }
0x169: {  	[sflag:s12] =	ssyncadd.s32 $0xFFFFC000  }
0x16a: {  	_ =	swait.ge [sflag:s12], $0x4000  }
0x16b: {  	[sflag:s12] =	ssyncset.done $0x0  }
0x16c: {  	s23 =	simm.s32 $0x100;
	[sflag:s12] =	ssyncadd.s32 $0xFFFFC000  }
0x16d: {  	s24 =	simm.s32 $0x300;
	v1 =	vld [tilespmem:s23+$0x0]  }
0x16e: {  	v2 =	vld [tilespmem:s24+$0x0];
	_ =	sdelay $0x1  }
0x16f: {  	s25 =	simm.s32 $0x0  }
0x170: {  	v3 =	vmov s25  }
0x171: {  	v3 =	vshll.u32 v3, $0x7;
	v1 =	vshrl.u32 v1, $0x9  }
0x172: {  	v3 =	vor.u32 v0, v3;
	v2 =	vshrl.u32 v2, $0x9;
	v1 =	vand.u32 $0x70, v1  }
0x173: {  	v53 =	vand.u32 $0x70, v2;
	v2 =	vor.u32 v3, v1  }
0x174: {  	v1 =	vor.u32 v3, v53;
	_ =	sdelay $0x1  }
0x175: {  	s21 =	simm.s32 $0x10900  }
0x176: {  	v57 =	vld [tilespmem:s21+$0x0];
	v3 =	vor.u32 $0x1, v2  }
0x177: {  	v55 =	vor.u32 $0x1, v1;
	v54 =	vld.idx.msk [tilespmem:v2+s26+$0x0], $0xffff  }
0x178: {  	s22 =	simm.s32 $0x10B00;
	v56 =	vld.idx.msk [tilespmem:v1+s29+$0x0], $0xffff  }
0x179: {  	v58 =	vld [tilespmem:s22+$0x0]  }
0x17a: {  	v59 =	vor.u32 $0x2, v2  }
0x17b: {  	v60 =	vor.u32 $0x2, v1;
	v3 =	vld.idx.msk [tilespmem:v3+s26+$0x0], $0xffff  }
0x17c: {  	v5 =	vld.idx.msk [tilespmem:v55+s29+$0x0], $0xffff  }
0x17d: {  	v61 =	vunpack.i.l.bf16.f32 v54;
	v62 =	vunpack.i.l.bf16.f32 v56  }
0x17e: {  	v7 =	vadd.f32 v58, v57;
	v63 =	vor.u32 $0x3, v2;
	v16 =	vmul.f32 v62, v61  }
0x17f: {  	v17 =	vor.u32 $0x3, v1;
	v9 =	vld.idx.msk [tilespmem:v59+s26+$0x0], $0xffff;
	v4 =	vunpack.i.u.bf16.f32 v54;
	v6 =	vunpack.i.u.bf16.f32 v56  }
0x180: {  	v10 =	vld.idx.msk [tilespmem:v60+s29+$0x0], $0xffff;
	v4 =	vmul.f32 v6, v4;
	v7 =	vadd.f32 v16, v7  }
0x181: {  	v18 =	vunpack.i.l.bf16.f32 v3;
	v19 =	vunpack.i.l.bf16.f32 v5  }
0x182: {  	v20 =	vor.u32 $0x4, v2;
	v6 =	vmul.f32 v19, v18;
	v4 =	vadd.f32 v7, v4  }
0x183: {  	v22 =	vor.u32 $0x4, v1;
	v21 =	vld.idx.msk [tilespmem:v63+s26+$0x0], $0xffff;
	v3 =	vunpack.i.u.bf16.f32 v3;
	v5 =	vunpack.i.u.bf16.f32 v5  }
0x184: {  	v11 =	vld.idx.msk [tilespmem:v17+s29+$0x0], $0xffff;
	v3 =	vmul.f32 v5, v3;
	v4 =	vadd.f32 v6, v4  }
0x185: {  	v23 =	vunpack.i.l.bf16.f32 v9;
	v24 =	vunpack.i.l.bf16.f32 v10  }
0x186: {  	v25 =	vor.u32 $0x5, v2;
	v26 =	vmul.f32 v24, v23;
	v3 =	vadd.f32 v4, v3  }
0x187: {  	v28 =	vor.u32 $0x5, v1;
	v27 =	vld.idx.msk [tilespmem:v20+s26+$0x0], $0xffff;
	v9 =	vunpack.i.u.bf16.f32 v9;
	v10 =	vunpack.i.u.bf16.f32 v10  }
0x188: {  	v8 =	vld.idx.msk [tilespmem:v22+s29+$0x0], $0xffff;
	v29 =	vmul.f32 v10, v9;
	v3 =	vadd.f32 v26, v3  }
0x189: {  	v30 =	vunpack.i.l.bf16.f32 v21;
	v31 =	vunpack.i.l.bf16.f32 v11  }
0x18a: {  	v32 =	vor.u32 $0x6, v2;
	v33 =	vmul.f32 v31, v30;
	v3 =	vadd.f32 v3, v29  }
0x18b: {  	v35 =	vor.u32 $0x6, v1;
	v34 =	vld.idx.msk [tilespmem:v25+s26+$0x0], $0xffff;
	v11 =	vunpack.i.u.bf16.f32 v11;
	v7 =	vunpack.i.u.bf16.f32 v21  }
0x18c: {  	v36 =	vmul.f32 v11, v7;
	v6 =	vld.idx.msk [tilespmem:v28+s29+$0x0], $0xffff;
	v3 =	vadd.f32 v33, v3  }
0x18d: {  	v37 =	vunpack.i.l.bf16.f32 v27;
	v38 =	vunpack.i.l.bf16.f32 v8  }
0x18e: {  	v39 =	vor.u32 $0x7, v2;
	v40 =	vmul.f32 v38, v37;
	v3 =	vadd.f32 v3, v36  }
0x18f: {  	v42 =	vor.u32 $0x7, v1;
	v41 =	vld.idx.msk [tilespmem:v32+s26+$0x0], $0xffff;
	v8 =	vunpack.i.u.bf16.f32 v8;
	v5 =	vunpack.i.u.bf16.f32 v27  }
0x190: {  	v10 =	vld.idx.msk [tilespmem:v35+s29+$0x0], $0xffff;
	v43 =	vmul.f32 v8, v5;
	v3 =	vadd.f32 v40, v3  }
0x191: {  	v44 =	vunpack.i.l.bf16.f32 v34;
	v45 =	vunpack.i.l.bf16.f32 v6  }
0x192: {  	v46 =	vor.u32 $0x8, v2;
	v47 =	vmul.f32 v45, v44;
	v3 =	vadd.f32 v3, v43  }
0x193: {  	v49 =	vor.u32 $0x8, v1;
	v48 =	vld.idx.msk [tilespmem:v39+s26+$0x0], $0xffff;
	v9 =	vunpack.i.u.bf16.f32 v34;
	v6 =	vunpack.i.u.bf16.f32 v6  }
0x194: {  	v11 =	vld.idx.msk [tilespmem:v42+s29+$0x0], $0xffff;
	v50 =	vmul.f32 v6, v9;
	v3 =	vadd.f32 v47, v3  }
0x195: {  	v51 =	vunpack.i.l.bf16.f32 v41;
	v52 =	vunpack.i.l.bf16.f32 v10  }
0x196: {  	v53 =	vor.u32 $0x9, v2;
	v54 =	vmul.f32 v52, v51;
	v3 =	vadd.f32 v3, v50  }
0x197: {  	v55 =	vld.idx.msk [tilespmem:v46+s26+$0x0], $0xffff;
	v56 =	vor.u32 $0x9, v1;
	v7 =	vunpack.i.u.bf16.f32 v41;
	v10 =	vunpack.i.u.bf16.f32 v10  }
0x198: {  	v8 =	vld.idx.msk [tilespmem:v49+s29+$0x0], $0xffff;
	v57 =	vmul.f32 v10, v7;
	v3 =	vadd.f32 v54, v3  }
0x199: {  	v58 =	vunpack.i.l.bf16.f32 v48;
	v59 =	vunpack.i.l.bf16.f32 v11  }
0x19a: {  	v60 =	vor.u32 $0xA, v2;
	v61 =	vmul.f32 v59, v58;
	v3 =	vadd.f32 v3, v57  }
0x19b: {  	v63 =	vor.u32 $0xA, v1;
	v62 =	vld.idx.msk [tilespmem:v53+s26+$0x0], $0xffff;
	v5 =	vunpack.i.u.bf16.f32 v48;
	v11 =	vunpack.i.u.bf16.f32 v11  }
0x19c: {  	v16 =	vmul.f32 v11, v5;
	v9 =	vld.idx.msk [tilespmem:v56+s29+$0x0], $0xffff;
	v3 =	vadd.f32 v61, v3  }
0x19d: {  	v17 =	vunpack.i.l.bf16.f32 v55;
	v18 =	vunpack.i.l.bf16.f32 v8  }
0x19e: {  	v19 =	vor.u32 $0xB, v2;
	v20 =	vmul.f32 v18, v17;
	v3 =	vadd.f32 v3, v16  }
0x19f: {  	v22 =	vor.u32 $0xB, v1;
	v21 =	vld.idx.msk [tilespmem:v60+s26+$0x0], $0xffff;
	v8 =	vunpack.i.u.bf16.f32 v8;
	v6 =	vunpack.i.u.bf16.f32 v55  }
0x1a0: {  	v10 =	vld.idx.msk [tilespmem:v63+s29+$0x0], $0xffff;
	v23 =	vmul.f32 v8, v6;
	v3 =	vadd.f32 v20, v3  }
0x1a1: {  	v24 =	vunpack.i.l.bf16.f32 v62;
	v25 =	vunpack.i.l.bf16.f32 v9  }
0x1a2: {  	v26 =	vor.u32 $0xC, v2;
	v27 =	vmul.f32 v25, v24;
	v3 =	vadd.f32 v3, v23  }
0x1a3: {  	v28 =	vld.idx.msk [tilespmem:v19+s26+$0x0], $0xffff;
	v7 =	vunpack.i.u.bf16.f32 v62;
	v29 =	vor.u32 $0xC, v1;
	v9 =	vunpack.i.u.bf16.f32 v9  }
0x1a4: {  	v11 =	vld.idx.msk [tilespmem:v22+s29+$0x0], $0xffff;
	v30 =	vmul.f32 v9, v7;
	v3 =	vadd.f32 v27, v3  }
0x1a5: {  	v31 =	vunpack.i.l.bf16.f32 v21;
	v32 =	vunpack.i.l.bf16.f32 v10  }
0x1a6: {  	v34 =	vmul.f32 v32, v31;
	v33 =	vor.u32 $0xD, v2;
	v3 =	vadd.f32 v3, v30  }
0x1a7: {  	v5 =	vunpack.i.u.bf16.f32 v21;
	v10 =	vunpack.i.u.bf16.f32 v10;
	v35 =	vld.idx.msk [tilespmem:v26+s26+$0x0], $0xffff;
	v36 =	vor.u32 $0xD, v1  }
0x1a8: {  	v37 =	vmul.f32 v10, v5;
	v8 =	vld.idx.msk [tilespmem:v29+s29+$0x0], $0xffff;
	v3 =	vadd.f32 v34, v3  }
0x1a9: {  	v38 =	vunpack.i.l.bf16.f32 v28;
	v39 =	vunpack.i.l.bf16.f32 v11  }
0x1aa: {  	v41 =	vmul.f32 v39, v38;
	v40 =	vor.u32 $0xE, v2;
	v3 =	vadd.f32 v3, v37  }
0x1ab: {  	v6 =	vunpack.i.u.bf16.f32 v28;
	v11 =	vunpack.i.u.bf16.f32 v11;
	v42 =	vld.idx.msk [tilespmem:v33+s26+$0x0], $0xffff;
	v43 =	vor.u32 $0xE, v1  }
0x1ac: {  	v44 =	vmul.f32 v11, v6;
	v9 =	vld.idx.msk [tilespmem:v36+s29+$0x0], $0xffff;
	v3 =	vadd.f32 v41, v3  }
0x1ad: {  	v45 =	vunpack.i.l.bf16.f32 v35;
	v46 =	vunpack.i.l.bf16.f32 v8  }
0x1ae: {  	v2 =	vor.u32 $0xF, v2;
	v47 =	vmul.f32 v46, v45;
	v3 =	vadd.f32 v3, v44  }
0x1af: {  	v1 =	vor.u32 $0xF, v1;
	v7 =	vunpack.i.u.bf16.f32 v35;
	v8 =	vunpack.i.u.bf16.f32 v8;
	v48 =	vld.idx.msk [tilespmem:v40+s26+$0x0], $0xffff  }
0x1b0: {  	v49 =	vmul.f32 v8, v7;
	v10 =	vld.idx.msk [tilespmem:v43+s29+$0x0], $0xffff;
	v3 =	vadd.f32 v47, v3  }
0x1b1: {  	v50 =	vunpack.i.l.bf16.f32 v42;
	v51 =	vunpack.i.l.bf16.f32 v9  }
0x1b2: {  	v52 =	vmul.f32 v51, v50;
	v3 =	vadd.f32 v3, v49  }
0x1b3: {  	v2 =	vld.idx.msk [tilespmem:v2+s26+$0x0], $0xffff;
	v5 =	vunpack.i.u.bf16.f32 v42;
	v53 =	vunpack.i.u.bf16.f32 v9  }
0x1b4: {  	v1 =	vld.idx.msk [tilespmem:v1+s29+$0x0], $0xffff;
	v54 =	vmul.f32 v53, v5;
	v3 =	vadd.f32 v52, v3  }
0x1b5: {  	v55 =	vunpack.i.l.bf16.f32 v48;
	v56 =	vunpack.i.l.bf16.f32 v10  }
0x1b6: {  	v57 =	vmul.f32 v56, v55;
	v3 =	vadd.f32 v3, v54  }
0x1b7: {  	v58 =	vunpack.i.u.bf16.f32 v48;
	v59 =	vunpack.i.u.bf16.f32 v10  }
0x1b8: {  	v60 =	vmul.f32 v59, v58;
	v3 =	vadd.f32 v57, v3  }
0x1b9: {  	v61 =	vunpack.i.l.bf16.f32 v2;
	v62 =	vunpack.i.l.bf16.f32 v1  }
0x1ba: {  	v63 =	vmul.f32 v62, v61;
	v3 =	vadd.f32 v3, v60  }
0x1bb: {  	v2 =	vunpack.i.u.bf16.f32 v2;
	v1 =	vunpack.i.u.bf16.f32 v1  }
0x1bc: {  	v1 =	vmul.f32 v1, v2;
	v3 =	vadd.f32 v63, v3;
	_ =	sdelay $0x1  }
0x1bd: {  	v1 =	vadd.f32 v3, v1  }
0x1be: {  	s23 =	simm.s32 $0x10D00  }
0x1bf: {  	s24 =	simm.s32 $0x110;
	[tilespmem:s23+$0x0] =	vst v1  }
0x1c0: {  	s25 =	simm.s32 $0x310;
	v1 =	vld [tilespmem:s24+$0x0]  }
0x1c1: {  	s28 =	simm.s32 $0x10;
	s30 =	simm.s32 $0x20;
	v2 =	vld [tilespmem:s25+$0x0]  }
.LBB2_6:
0x1c2: {  	p0 =	sne.s32 s30, $0xF0;
	_ =	sdelay $0x1  }
0x1c3: {  	v3 =	vmov s28;
	s28 =	smov.u32 s30  }
0x1c4: {  	v3 =	vshll.u32 v3, $0x7;
	v1 =	vshrl.u32 v1, $0x9  }
0x1c5: {  	v3 =	vor.u32 v0, v3;
	v1 =	vand.u32 $0x70, v1;
	v2 =	vshrl.u32 v2, $0x9  }
0x1c6: {  	v4 =	vand.u32 $0x70, v2;
	v2 =	vor.u32 v3, v1  }
0x1c7: {  	v1 =	vor.u32 v3, v4;
	_ =	sdelay $0x2  }
0x1c8: {  	v3 =	vor.u32 $0x1, v2  }
0x1c9: {  	v5 =	vor.u32 $0x1, v1;
	v4 =	vld.idx.msk [tilespmem:v2+s26+$0x0], $0xffff  }
0x1ca: {  	s21 =	sadd.s32 $0x10, s21;
	v6 =	vld.idx.msk [tilespmem:v1+s29+$0x0], $0xffff  }
0x1cb: {  	s22 =	sadd.s32 $0x10, s22;
	v7 =	vld [tilespmem:s21+$0x0]  }
0x1cc: {  	v9 =	vor.u32 $0x2, v2;
	v8 =	vld [tilespmem:s22+$0x0]  }
0x1cd: {  	v10 =	vor.u32 $0x2, v1;
	v3 =	vld.idx.msk [tilespmem:v3+s26+$0x0], $0xffff  }
0x1ce: {  	v5 =	vld.idx.msk [tilespmem:v5+s29+$0x0], $0xffff;
	_ =	sdelay $0x1  }
0x1cf: {  	v13 =	vor.u32 $0x3, v2;
	v11 =	vunpack.i.l.bf16.f32 v4;
	v12 =	vunpack.i.l.bf16.f32 v6  }
0x1d0: {  	v7 =	vadd.f32 v8, v7;
	v8 =	vmul.f32 v12, v11;
	v9 =	vld.idx.msk [tilespmem:v9+s26+$0x0], $0xffff;
	v11 =	vor.u32 $0x3, v1  }
0x1d1: {  	v4 =	vunpack.i.u.bf16.f32 v4;
	v6 =	vunpack.i.u.bf16.f32 v6;
	v10 =	vld.idx.msk [tilespmem:v10+s29+$0x0], $0xffff  }
0x1d2: {  	v4 =	vmul.f32 v6, v4;
	v7 =	vadd.f32 v8, v7  }
0x1d3: {  	v12 =	vor.u32 $0x4, v2;
	v6 =	vunpack.i.l.bf16.f32 v3;
	v8 =	vunpack.i.l.bf16.f32 v5  }
0x1d4: {  	v6 =	vmul.f32 v8, v6;
	v8 =	vor.u32 $0x4, v1;
	v4 =	vadd.f32 v7, v4;
	v7 =	vld.idx.msk [tilespmem:v13+s26+$0x0], $0xffff  }
0x1d5: {  	v3 =	vunpack.i.u.bf16.f32 v3;
	v5 =	vunpack.i.u.bf16.f32 v5;
	v11 =	vld.idx.msk [tilespmem:v11+s29+$0x0], $0xffff  }
0x1d6: {  	v3 =	vmul.f32 v5, v3;
	v4 =	vadd.f32 v6, v4  }
0x1d7: {  	v13 =	vor.u32 $0x5, v2;
	v5 =	vunpack.i.l.bf16.f32 v9;
	v6 =	vunpack.i.l.bf16.f32 v10  }
0x1d8: {  	v3 =	vadd.f32 v4, v3;
	v4 =	vmul.f32 v6, v5;
	v5 =	vld.idx.msk [tilespmem:v12+s26+$0x0], $0xffff;
	v6 =	vor.u32 $0x5, v1  }
0x1d9: {  	v9 =	vunpack.i.u.bf16.f32 v9;
	v10 =	vunpack.i.u.bf16.f32 v10;
	v8 =	vld.idx.msk [tilespmem:v8+s29+$0x0], $0xffff  }
0x1da: {  	v3 =	vadd.f32 v4, v3;
	v4 =	vmul.f32 v10, v9  }
0x1db: {  	v12 =	vor.u32 $0x6, v2;
	v9 =	vunpack.i.l.bf16.f32 v7;
	v10 =	vunpack.i.l.bf16.f32 v11  }
0x1dc: {  	v3 =	vadd.f32 v3, v4;
	v4 =	vmul.f32 v10, v9;
	v9 =	vld.idx.msk [tilespmem:v13+s26+$0x0], $0xffff;
	v10 =	vor.u32 $0x6, v1  }
0x1dd: {  	v7 =	vunpack.i.u.bf16.f32 v7;
	v11 =	vunpack.i.u.bf16.f32 v11;
	v6 =	vld.idx.msk [tilespmem:v6+s29+$0x0], $0xffff  }
0x1de: {  	v3 =	vadd.f32 v4, v3;
	v4 =	vmul.f32 v11, v7  }
0x1df: {  	v13 =	vor.u32 $0x7, v2;
	v7 =	vunpack.i.l.bf16.f32 v5;
	v11 =	vunpack.i.l.bf16.f32 v8  }
0x1e0: {  	v3 =	vadd.f32 v3, v4;
	v4 =	vmul.f32 v11, v7;
	v7 =	vld.idx.msk [tilespmem:v12+s26+$0x0], $0xffff;
	v11 =	vor.u32 $0x7, v1  }
0x1e1: {  	v5 =	vunpack.i.u.bf16.f32 v5;
	v8 =	vunpack.i.u.bf16.f32 v8;
	v10 =	vld.idx.msk [tilespmem:v10+s29+$0x0], $0xffff  }
0x1e2: {  	v3 =	vadd.f32 v4, v3;
	v4 =	vmul.f32 v8, v5  }
0x1e3: {  	v12 =	vor.u32 $0x8, v2;
	v5 =	vunpack.i.l.bf16.f32 v9;
	v8 =	vunpack.i.l.bf16.f32 v6  }
0x1e4: {  	v3 =	vadd.f32 v3, v4;
	v4 =	vmul.f32 v8, v5;
	v5 =	vld.idx.msk [tilespmem:v13+s26+$0x0], $0xffff;
	v8 =	vor.u32 $0x8, v1  }
0x1e5: {  	v9 =	vunpack.i.u.bf16.f32 v9;
	v6 =	vunpack.i.u.bf16.f32 v6;
	v11 =	vld.idx.msk [tilespmem:v11+s29+$0x0], $0xffff  }
0x1e6: {  	v3 =	vadd.f32 v4, v3;
	v4 =	vmul.f32 v6, v9  }
0x1e7: {  	v13 =	vor.u32 $0x9, v2;
	v6 =	vunpack.i.l.bf16.f32 v7;
	v9 =	vunpack.i.l.bf16.f32 v10  }
0x1e8: {  	v3 =	vadd.f32 v3, v4;
	v4 =	vmul.f32 v9, v6;
	v6 =	vld.idx.msk [tilespmem:v12+s26+$0x0], $0xffff;
	v9 =	vor.u32 $0x9, v1  }
0x1e9: {  	v7 =	vunpack.i.u.bf16.f32 v7;
	v10 =	vunpack.i.u.bf16.f32 v10;
	v8 =	vld.idx.msk [tilespmem:v8+s29+$0x0], $0xffff  }
0x1ea: {  	v3 =	vadd.f32 v4, v3;
	v4 =	vmul.f32 v10, v7  }
0x1eb: {  	v12 =	vor.u32 $0xA, v2;
	v7 =	vunpack.i.l.bf16.f32 v5;
	v10 =	vunpack.i.l.bf16.f32 v11  }
0x1ec: {  	v3 =	vadd.f32 v3, v4;
	v4 =	vmul.f32 v10, v7;
	v7 =	vld.idx.msk [tilespmem:v13+s26+$0x0], $0xffff;
	v10 =	vor.u32 $0xA, v1  }
0x1ed: {  	v5 =	vunpack.i.u.bf16.f32 v5;
	v11 =	vunpack.i.u.bf16.f32 v11;
	v9 =	vld.idx.msk [tilespmem:v9+s29+$0x0], $0xffff  }
0x1ee: {  	v3 =	vadd.f32 v4, v3;
	v4 =	vmul.f32 v11, v5  }
0x1ef: {  	v13 =	vor.u32 $0xB, v2;
	v5 =	vunpack.i.l.bf16.f32 v6;
	v11 =	vunpack.i.l.bf16.f32 v8  }
0x1f0: {  	v3 =	vadd.f32 v3, v4;
	v4 =	vmul.f32 v11, v5;
	v5 =	vld.idx.msk [tilespmem:v12+s26+$0x0], $0xffff;
	v11 =	vor.u32 $0xB, v1  }
0x1f1: {  	v6 =	vunpack.i.u.bf16.f32 v6;
	v8 =	vunpack.i.u.bf16.f32 v8;
	v10 =	vld.idx.msk [tilespmem:v10+s29+$0x0], $0xffff  }
0x1f2: {  	v3 =	vadd.f32 v4, v3;
	v4 =	vmul.f32 v8, v6  }
0x1f3: {  	v12 =	vor.u32 $0xC, v2;
	v6 =	vunpack.i.l.bf16.f32 v7;
	v8 =	vunpack.i.l.bf16.f32 v9  }
0x1f4: {  	v3 =	vadd.f32 v3, v4;
	v4 =	vmul.f32 v8, v6;
	v6 =	vld.idx.msk [tilespmem:v13+s26+$0x0], $0xffff;
	v8 =	vor.u32 $0xC, v1  }
0x1f5: {  	v7 =	vunpack.i.u.bf16.f32 v7;
	v9 =	vunpack.i.u.bf16.f32 v9;
	v11 =	vld.idx.msk [tilespmem:v11+s29+$0x0], $0xffff  }
0x1f6: {  	v3 =	vadd.f32 v4, v3;
	v4 =	vmul.f32 v9, v7  }
0x1f7: {  	v13 =	vor.u32 $0xD, v2;
	v7 =	vunpack.i.l.bf16.f32 v5;
	v9 =	vunpack.i.l.bf16.f32 v10  }
0x1f8: {  	v3 =	vadd.f32 v3, v4;
	v4 =	vmul.f32 v9, v7;
	v7 =	vld.idx.msk [tilespmem:v12+s26+$0x0], $0xffff;
	v9 =	vor.u32 $0xD, v1  }
0x1f9: {  	v5 =	vunpack.i.u.bf16.f32 v5;
	v10 =	vunpack.i.u.bf16.f32 v10;
	v8 =	vld.idx.msk [tilespmem:v8+s29+$0x0], $0xffff  }
0x1fa: {  	v3 =	vadd.f32 v4, v3;
	v4 =	vmul.f32 v10, v5  }
0x1fb: {  	v12 =	vor.u32 $0xE, v2;
	v5 =	vunpack.i.l.bf16.f32 v6;
	v10 =	vunpack.i.l.bf16.f32 v11  }
0x1fc: {  	v3 =	vadd.f32 v3, v4;
	v4 =	vmul.f32 v10, v5;
	v5 =	vld.idx.msk [tilespmem:v13+s26+$0x0], $0xffff;
	v10 =	vor.u32 $0xE, v1  }
0x1fd: {  	v6 =	vunpack.i.u.bf16.f32 v6;
	v11 =	vunpack.i.u.bf16.f32 v11;
	v9 =	vld.idx.msk [tilespmem:v9+s29+$0x0], $0xffff  }
0x1fe: {  	v3 =	vadd.f32 v4, v3;
	v4 =	vmul.f32 v11, v6  }
0x1ff: {  	v2 =	vor.u32 $0xF, v2;
	v6 =	vunpack.i.l.bf16.f32 v7;
	v11 =	vunpack.i.l.bf16.f32 v8  }
0x200: {  	v1 =	vor.u32 $0xF, v1;
	v3 =	vadd.f32 v3, v4;
	v4 =	vmul.f32 v11, v6;
	v6 =	vld.idx.msk [tilespmem:v12+s26+$0x0], $0xffff  }
0x201: {  	v7 =	vunpack.i.u.bf16.f32 v7;
	v8 =	vunpack.i.u.bf16.f32 v8;
	v10 =	vld.idx.msk [tilespmem:v10+s29+$0x0], $0xffff  }
0x202: {  	v3 =	vadd.f32 v4, v3;
	v4 =	vmul.f32 v8, v7  }
0x203: {  	v7 =	vunpack.i.l.bf16.f32 v5;
	v8 =	vunpack.i.l.bf16.f32 v9  }
0x204: {  	v3 =	vadd.f32 v3, v4;
	v4 =	vmul.f32 v8, v7;
	v2 =	vld.idx.msk [tilespmem:v2+s26+$0x0], $0xffff  }
0x205: {  	v5 =	vunpack.i.u.bf16.f32 v5;
	v7 =	vunpack.i.u.bf16.f32 v9;
	v1 =	vld.idx.msk [tilespmem:v1+s29+$0x0], $0xffff  }
0x206: {  	v3 =	vadd.f32 v4, v3;
	v4 =	vmul.f32 v7, v5  }
0x207: {  	v5 =	vunpack.i.l.bf16.f32 v6;
	v7 =	vunpack.i.l.bf16.f32 v10  }
0x208: {  	v3 =	vadd.f32 v3, v4;
	v4 =	vmul.f32 v7, v5  }
0x209: {  	v5 =	vunpack.i.u.bf16.f32 v6;
	v6 =	vunpack.i.u.bf16.f32 v10  }
0x20a: {  	v3 =	vadd.f32 v4, v3;
	v4 =	vmul.f32 v6, v5  }
0x20b: {  	v5 =	vunpack.i.l.bf16.f32 v2;
	v6 =	vunpack.i.l.bf16.f32 v1  }
0x20c: {  	v3 =	vadd.f32 v3, v4;
	v4 =	vmul.f32 v6, v5  }
0x20d: {  	v2 =	vunpack.i.u.bf16.f32 v2;
	v1 =	vunpack.i.u.bf16.f32 v1  }
0x20e: {  	v1 =	vmul.f32 v1, v2;
	v3 =	vadd.f32 v4, v3;
	_ =	sdelay $0x1  }
.Ltmp2:
0x20f: {  	v1 =	vadd.f32 v3, v1;
	(pc) =	sbr.rel @p0 .LBB2_6-.Ltmp2, $4  }
0x210: {  	s23 =	sadd.s32 $0x10, s23  }
0x211: {  	s24 =	sadd.s32 $0x10, s24;
	[tilespmem:s23+$0x0] =	vst v1  }
0x212: {  	s25 =	sadd.s32 $0x10, s25;
	v1 =	vld [tilespmem:s24+$0x0]  }
0x213: {  	s30 =	sadd.s32 $0x10, s30;
	v2 =	vld [tilespmem:s25+$0x0]  }
0x214: {  	_ =	sdelay $0x1  }
0x215: {  	v3 =	vmov s28  }
0x216: {  	v3 =	vshll.u32 v3, $0x7;
	v1 =	vshrl.u32 v1, $0x9  }
0x217: {  	v3 =	vor.u32 v0, v3;
	v1 =	vand.u32 $0x70, v1;
	v2 =	vshrl.u32 v2, $0x9  }
0x218: {  	v4 =	vand.u32 $0x70, v2;
	v2 =	vor.u32 v3, v1  }
0x219: {  	v1 =	vor.u32 v3, v4;
	_ =	sdelay $0x1  }
0x21a: {  	s21 =	sadd.s32 $0x10, s21  }
0x21b: {  	v7 =	vld [tilespmem:s21+$0x0];
	v3 =	vor.u32 $0x1, v2  }
0x21c: {  	v5 =	vor.u32 $0x1, v1;
	v63 =	vld.idx.msk [tilespmem:v2+s26+$0x0], $0xffff  }
0x21d: {  	s28 =	sadd.s32 $0x10, s22;
	v6 =	vld.idx.msk [tilespmem:v1+s29+$0x0], $0xffff  }
0x21e: {  	v8 =	vld [tilespmem:s28+$0x0]  }
0x21f: {  	v9 =	vor.u32 $0x2, v2  }
0x220: {  	v10 =	vor.u32 $0x2, v1;
	v3 =	vld.idx.msk [tilespmem:v3+s26+$0x0], $0xffff  }
0x221: {  	v5 =	vld.idx.msk [tilespmem:v5+s29+$0x0], $0xffff  }
0x222: {  	v11 =	vunpack.i.l.bf16.f32 v63;
	v12 =	vunpack.i.l.bf16.f32 v6  }
0x223: {  	v13 =	vor.u32 $0x3, v2;
	v7 =	vadd.f32 v8, v7;
	v16 =	vmul.f32 v12, v11  }
0x224: {  	v17 =	vor.u32 $0x3, v1;
	v9 =	vld.idx.msk [tilespmem:v9+s26+$0x0], $0xffff;
	v4 =	vunpack.i.u.bf16.f32 v63;
	v6 =	vunpack.i.u.bf16.f32 v6  }
0x225: {  	v10 =	vld.idx.msk [tilespmem:v10+s29+$0x0], $0xffff;
	v4 =	vmul.f32 v6, v4;
	v7 =	vadd.f32 v16, v7  }
0x226: {  	v18 =	vunpack.i.l.bf16.f32 v3;
	v19 =	vunpack.i.l.bf16.f32 v5  }
0x227: {  	v20 =	vor.u32 $0x4, v2;
	v6 =	vmul.f32 v19, v18;
	v4 =	vadd.f32 v7, v4  }
0x228: {  	v22 =	vor.u32 $0x4, v1;
	v21 =	vld.idx.msk [tilespmem:v13+s26+$0x0], $0xffff;
	v3 =	vunpack.i.u.bf16.f32 v3;
	v5 =	vunpack.i.u.bf16.f32 v5  }
0x229: {  	v11 =	vld.idx.msk [tilespmem:v17+s29+$0x0], $0xffff;
	v3 =	vmul.f32 v5, v3;
	v4 =	vadd.f32 v6, v4  }
0x22a: {  	v23 =	vunpack.i.l.bf16.f32 v9;
	v24 =	vunpack.i.l.bf16.f32 v10  }
0x22b: {  	v25 =	vor.u32 $0x5, v2;
	v26 =	vmul.f32 v24, v23;
	v3 =	vadd.f32 v4, v3  }
0x22c: {  	v28 =	vor.u32 $0x5, v1;
	v27 =	vld.idx.msk [tilespmem:v20+s26+$0x0], $0xffff;
	v9 =	vunpack.i.u.bf16.f32 v9;
	v10 =	vunpack.i.u.bf16.f32 v10  }
0x22d: {  	v8 =	vld.idx.msk [tilespmem:v22+s29+$0x0], $0xffff;
	v29 =	vmul.f32 v10, v9;
	v3 =	vadd.f32 v26, v3  }
0x22e: {  	v30 =	vunpack.i.l.bf16.f32 v21;
	v31 =	vunpack.i.l.bf16.f32 v11  }
0x22f: {  	v32 =	vor.u32 $0x6, v2;
	v33 =	vmul.f32 v31, v30;
	v3 =	vadd.f32 v3, v29  }
0x230: {  	v35 =	vor.u32 $0x6, v1;
	v34 =	vld.idx.msk [tilespmem:v25+s26+$0x0], $0xffff;
	v7 =	vunpack.i.u.bf16.f32 v21;
	v11 =	vunpack.i.u.bf16.f32 v11  }
0x231: {  	v6 =	vld.idx.msk [tilespmem:v28+s29+$0x0], $0xffff;
	v36 =	vmul.f32 v11, v7;
	v3 =	vadd.f32 v33, v3  }
0x232: {  	v37 =	vunpack.i.l.bf16.f32 v27;
	v38 =	vunpack.i.l.bf16.f32 v8  }
0x233: {  	v39 =	vor.u32 $0x7, v2;
	v40 =	vmul.f32 v38, v37;
	v3 =	vadd.f32 v3, v36  }
0x234: {  	v42 =	vor.u32 $0x7, v1;
	v41 =	vld.idx.msk [tilespmem:v32+s26+$0x0], $0xffff;
	v8 =	vunpack.i.u.bf16.f32 v8;
	v5 =	vunpack.i.u.bf16.f32 v27  }
0x235: {  	v10 =	vld.idx.msk [tilespmem:v35+s29+$0x0], $0xffff;
	v43 =	vmul.f32 v8, v5;
	v3 =	vadd.f32 v40, v3  }
0x236: {  	v44 =	vunpack.i.l.bf16.f32 v34;
	v45 =	vunpack.i.l.bf16.f32 v6  }
0x237: {  	v46 =	vor.u32 $0x8, v2;
	v47 =	vmul.f32 v45, v44;
	v3 =	vadd.f32 v3, v43  }
0x238: {  	v49 =	vor.u32 $0x8, v1;
	v48 =	vld.idx.msk [tilespmem:v39+s26+$0x0], $0xffff;
	v9 =	vunpack.i.u.bf16.f32 v34;
	v6 =	vunpack.i.u.bf16.f32 v6  }
0x239: {  	v11 =	vld.idx.msk [tilespmem:v42+s29+$0x0], $0xffff;
	v50 =	vmul.f32 v6, v9;
	v3 =	vadd.f32 v47, v3  }
0x23a: {  	v51 =	vunpack.i.l.bf16.f32 v41;
	v52 =	vunpack.i.l.bf16.f32 v10  }
0x23b: {  	v53 =	vor.u32 $0x9, v2;
	v54 =	vmul.f32 v52, v51;
	v3 =	vadd.f32 v3, v50  }
0x23c: {  	v56 =	vor.u32 $0x9, v1;
	v55 =	vld.idx.msk [tilespmem:v46+s26+$0x0], $0xffff;
	v7 =	vunpack.i.u.bf16.f32 v41;
	v10 =	vunpack.i.u.bf16.f32 v10  }
0x23d: {  	v8 =	vld.idx.msk [tilespmem:v49+s29+$0x0], $0xffff;
	v57 =	vmul.f32 v10, v7;
	v3 =	vadd.f32 v54, v3  }
0x23e: {  	v58 =	vunpack.i.l.bf16.f32 v48;
	v59 =	vunpack.i.l.bf16.f32 v11  }
0x23f: {  	v60 =	vor.u32 $0xA, v2;
	v61 =	vmul.f32 v59, v58;
	v3 =	vadd.f32 v3, v57  }
0x240: {  	v62 =	vld.idx.msk [tilespmem:v53+s26+$0x0], $0xffff;
	v63 =	vor.u32 $0xA, v1;
	v5 =	vunpack.i.u.bf16.f32 v48;
	v11 =	vunpack.i.u.bf16.f32 v11  }
0x241: {  	v9 =	vld.idx.msk [tilespmem:v56+s29+$0x0], $0xffff;
	v16 =	vmul.f32 v11, v5;
	v3 =	vadd.f32 v61, v3  }
0x242: {  	v17 =	vunpack.i.l.bf16.f32 v55;
	v18 =	vunpack.i.l.bf16.f32 v8  }
0x243: {  	v19 =	vor.u32 $0xB, v2;
	v20 =	vmul.f32 v18, v17;
	v3 =	vadd.f32 v3, v16  }
0x244: {  	v22 =	vor.u32 $0xB, v1;
	v21 =	vld.idx.msk [tilespmem:v60+s26+$0x0], $0xffff;
	v8 =	vunpack.i.u.bf16.f32 v8;
	v6 =	vunpack.i.u.bf16.f32 v55  }
0x245: {  	v10 =	vld.idx.msk [tilespmem:v63+s29+$0x0], $0xffff;
	v23 =	vmul.f32 v8, v6;
	v3 =	vadd.f32 v20, v3  }
0x246: {  	v24 =	vunpack.i.l.bf16.f32 v62;
	v25 =	vunpack.i.l.bf16.f32 v9  }
0x247: {  	v26 =	vor.u32 $0xC, v2;
	v27 =	vmul.f32 v25, v24;
	v3 =	vadd.f32 v3, v23  }
0x248: {  	v28 =	vld.idx.msk [tilespmem:v19+s26+$0x0], $0xffff;
	v7 =	vunpack.i.u.bf16.f32 v62;
	v29 =	vor.u32 $0xC, v1;
	v9 =	vunpack.i.u.bf16.f32 v9  }
0x249: {  	v11 =	vld.idx.msk [tilespmem:v22+s29+$0x0], $0xffff;
	v30 =	vmul.f32 v9, v7;
	v3 =	vadd.f32 v27, v3  }
0x24a: {  	v31 =	vunpack.i.l.bf16.f32 v21;
	v32 =	vunpack.i.l.bf16.f32 v10  }
0x24b: {  	v34 =	vmul.f32 v32, v31;
	v33 =	vor.u32 $0xD, v2;
	v3 =	vadd.f32 v3, v30  }
0x24c: {  	v5 =	vunpack.i.u.bf16.f32 v21;
	v10 =	vunpack.i.u.bf16.f32 v10;
	v35 =	vld.idx.msk [tilespmem:v26+s26+$0x0], $0xffff;
	v36 =	vor.u32 $0xD, v1  }
0x24d: {  	v37 =	vmul.f32 v10, v5;
	v8 =	vld.idx.msk [tilespmem:v29+s29+$0x0], $0xffff;
	v3 =	vadd.f32 v34, v3  }
0x24e: {  	v38 =	vunpack.i.l.bf16.f32 v28;
	v39 =	vunpack.i.l.bf16.f32 v11  }
0x24f: {  	v40 =	vor.u32 $0xE, v2;
	v41 =	vmul.f32 v39, v38;
	v3 =	vadd.f32 v3, v37  }
0x250: {  	v6 =	vunpack.i.u.bf16.f32 v28;
	v11 =	vunpack.i.u.bf16.f32 v11;
	v42 =	vld.idx.msk [tilespmem:v33+s26+$0x0], $0xffff;
	v43 =	vor.u32 $0xE, v1  }
0x251: {  	v44 =	vmul.f32 v11, v6;
	v9 =	vld.idx.msk [tilespmem:v36+s29+$0x0], $0xffff;
	v3 =	vadd.f32 v41, v3  }
0x252: {  	v45 =	vunpack.i.l.bf16.f32 v35;
	v46 =	vunpack.i.l.bf16.f32 v8  }
0x253: {  	v2 =	vor.u32 $0xF, v2;
	v47 =	vmul.f32 v46, v45;
	v3 =	vadd.f32 v3, v44  }
0x254: {  	v1 =	vor.u32 $0xF, v1;
	v7 =	vunpack.i.u.bf16.f32 v35;
	v8 =	vunpack.i.u.bf16.f32 v8;
	v48 =	vld.idx.msk [tilespmem:v40+s26+$0x0], $0xffff  }
0x255: {  	v49 =	vmul.f32 v8, v7;
	v10 =	vld.idx.msk [tilespmem:v43+s29+$0x0], $0xffff;
	v3 =	vadd.f32 v47, v3  }
0x256: {  	v50 =	vunpack.i.l.bf16.f32 v42;
	v51 =	vunpack.i.l.bf16.f32 v9  }
0x257: {  	v52 =	vmul.f32 v51, v50;
	v3 =	vadd.f32 v3, v49  }
0x258: {  	v2 =	vld.idx.msk [tilespmem:v2+s26+$0x0], $0xffff;
	v5 =	vunpack.i.u.bf16.f32 v42;
	v53 =	vunpack.i.u.bf16.f32 v9  }
0x259: {  	v1 =	vld.idx.msk [tilespmem:v1+s29+$0x0], $0xffff;
	v54 =	vmul.f32 v53, v5;
	v3 =	vadd.f32 v52, v3  }
0x25a: {  	v55 =	vunpack.i.l.bf16.f32 v48;
	v56 =	vunpack.i.l.bf16.f32 v10  }
0x25b: {  	v57 =	vmul.f32 v56, v55;
	v3 =	vadd.f32 v3, v54  }
0x25c: {  	v58 =	vunpack.i.u.bf16.f32 v48;
	v59 =	vunpack.i.u.bf16.f32 v10  }
0x25d: {  	v60 =	vmul.f32 v59, v58;
	v3 =	vadd.f32 v57, v3  }
0x25e: {  	v61 =	vunpack.i.l.bf16.f32 v2;
	v62 =	vunpack.i.l.bf16.f32 v1  }
0x25f: {  	v63 =	vmul.f32 v62, v61;
	v3 =	vadd.f32 v3, v60  }
0x260: {  	v2 =	vunpack.i.u.bf16.f32 v2;
	v1 =	vunpack.i.u.bf16.f32 v1  }
0x261: {  	v1 =	vmul.f32 v1, v2;
	v3 =	vadd.f32 v63, v3;
	_ =	sdelay $0x1  }
0x262: {  	s20 =	sadd.s32 $0x1, s20;
	v1 =	vadd.f32 v3, v1  }
0x263: {  	s30 =	sadd.s32 $0x10, s23;
	p0 =	sne.s32 s20, s10  }
.Ltmp3:
0x264: {  	[tilespmem:s30+$0x0] =	vst v1;
	(pc) =	sbr.rel @p0 .LBB2_1-.Ltmp3, $4  }
0x265: {  	[hbm4b:s9+s6] =	stream.linear.scatter [tilespmem:s19], [sflag:$0x3], $0x200, $0x38;
	[tilespmem:$0x10E00] =	vst v63  }
0x266: {  	_ =	swait.ge [sflag:s11], $0x200  }
0x267: {  	[sflag:s11] =	ssyncset.done $0x0  }
0x268: {  	[sflag:s11] =	ssyncadd.s32 $0xFFFFFE00  }
0x269: {  	_ =	sfence.sel $0x180000  }
0x26a: {  	[bflag:$0x0] =	sbarrier.arrive $0xFFFF  }
0x26b: {  	_ =	strace $0x90000047  }
0x26c: {  	s0 =	stileid.u32;
	[bflag:$0x2] =	sbarrier.arrive $0xFFFF  }
0x26d: {  	p0 =	sne.s32 s0, $0x0;
	s0 =	rddreg [dreg:$0x6]  }
0x26e: {  	s0 =	sadd.s32 @!p0 $0x100000, s0  }
0x26f: {  	[sflag:s0] =	ssyncadd.tile.s32 @!p0 $0x1;
	_ =	shalt  }
.Lfunc_end2:
_tile_overlayer_lowered:
.L_overlay_start_2:
0x270: {  	(tag) =	ssettag $0x2  }
0x271: {  	s0 =	rddreg [dreg:$0x0];
	s2 =	stileid.u32  }
0x272: {  	s1 =	rddreg [dreg:$0x1];
	p0 =	sne.s32 s2, $0x0  }
0x273: {  	s3 =	rddreg [dreg:$0x2];
	[bflag:$0x3] =	sbarrier.arrive $0xFFFF;
	s2 =	simm.s32 @!p0 $0x1C03  }
0x274: {  	[timem:s3], [sflag:s2] =	dma.local @!p0 [hbm:s0], s1  }
0x275: {  	s0 =	simm.s32 @!p0 $0x3  }
0x276: {  	_ =	swait.ge @!p0 [sflag:s0], s1  }
0x277: {  	s1 =	ssub.s32 @!p0 $0x0, s1;
	[sflag:s0] =	ssyncset.done @!p0 $0x0  }
0x278: {  	[sflag:s0] =	ssyncadd.s32 @!p0 s1  }
0x279: {  	[bflag:$0x3] =	sbarrier.arrive $0xFFFF  }
0x27a: {  	_ =	shalt  }

</sc_bundles>
